<compile_context>
chip_gen: v7x
topology: tpu7x:2x2x1
jax: 0.10.2.dev20260603
libtpu: 0.0.44.dev20260713+nightly
codegen_flags: <defaults>
</compile_context>

<pallas_src>
import functools

import jax
import jax.numpy as jnp
from jax import lax
from jax.experimental import pallas as pl
from jax.experimental.pallas import tpu as pltpu
from jax.experimental.pallas import tpu_sc as plsc

N = 10000
E = 320000
D_IN = 128
D_H = 32
D_OUT = 16

L = 16
NC = 2
NS = 16
NW = NC * NS

EPT = E // NW
NZ = N // L

_sc_mesh = plsc.VectorSubcoreMesh(core_axis_name="c", subcore_axis_name="s")
_sc_params = pltpu.CompilerParams(needs_layout_passes=False)


def _wid():
    return lax.axis_index("s") * NC + lax.axis_index("c")


def _zero(ref):
    @plsc.parallel_loop(0, NZ, unroll=5)
    def body(i):
        ref[pl.ds(i * L, L)] = jnp.zeros((L,), jnp.float32)


@functools.partial(
    pl.kernel,
    out_type=jax.ShapeDtypeStruct((NW, N), jnp.float32),
    mesh=_sc_mesh,
    compiler_params=_sc_params,
    scratch_types=[
        pltpu.VMEM((EPT,), jnp.int32),
        pltpu.VMEM((EPT,), jnp.float32),
        pltpu.VMEM((N,), jnp.float32),
    ],
)
def _sc_deg(col_hbm, ew_hbm, out_hbm, colv, ewv, degv):
    wid = _wid()
    _zero(degv)
    base = pl.multiple_of(wid * EPT, 8)
    pltpu.sync_copy(col_hbm.at[pl.ds(base, EPT)], colv)
    pltpu.sync_copy(ew_hbm.at[pl.ds(base, EPT)], ewv)

    @plsc.parallel_loop(0, EPT // L, unroll=5)
    def body(i):
        sl = pl.ds(i * L, L)
        plsc.addupdate_scatter(degv, [colv[sl]], ewv[sl])
    pltpu.sync_copy(degv, out_hbm.at[wid])


@functools.partial(
    pl.kernel,
    out_type=jax.ShapeDtypeStruct((E,), jnp.float32),
    mesh=_sc_mesh,
    compiler_params=_sc_params,
    scratch_types=[
        pltpu.VMEM((EPT,), jnp.int32),
        pltpu.VMEM((EPT,), jnp.int32),
        pltpu.VMEM((EPT,), jnp.float32),
        pltpu.VMEM((EPT,), jnp.float32),
        pltpu.VMEM((N,), jnp.float32),
    ],
)
def _sc_norm(row_hbm, col_hbm, ew_hbm, dinv_hbm, out_hbm,
             rowv, colv, ewv, normv, dinvv):
    wid = _wid()
    pltpu.sync_copy(dinv_hbm.at[0], dinvv)
    base = pl.multiple_of(wid * EPT, 8)
    pltpu.sync_copy(row_hbm.at[pl.ds(base, EPT)], rowv)
    pltpu.sync_copy(col_hbm.at[pl.ds(base, EPT)], colv)
    pltpu.sync_copy(ew_hbm.at[pl.ds(base, EPT)], ewv)

    @plsc.parallel_loop(0, EPT // L, unroll=5)
    def body(i):
        sl = pl.ds(i * L, L)
        dr = plsc.load_gather(dinvv, [rowv[sl]])
        dc = plsc.load_gather(dinvv, [colv[sl]])
        normv[sl] = dr * ewv[sl] * dc
    pltpu.sync_copy(normv, out_hbm.at[pl.ds(base, EPT)])


FPT = 4


def _make_sc_agg(NF):
    NG = NF // FPT
    TPG = NW // NG
    EPP = E // TPG
    CH = 10000
    NCHK = EPP // CH

    @functools.partial(
        pl.kernel,
        out_type=jax.ShapeDtypeStruct((TPG, NF, N), jnp.float32),
        mesh=_sc_mesh,
        compiler_params=_sc_params,
        scratch_types=[
            pltpu.VMEM((CH,), jnp.int32),
            pltpu.VMEM((CH,), jnp.int32),
            pltpu.VMEM((CH,), jnp.float32),
        ] + [pltpu.VMEM((N,), jnp.float32) for _ in range(2 * FPT)],
    )
    def _sc_agg(row_hbm, col_hbm, norm_hbm, ht_hbm, out_hbm,
                rowv, colv, normv, *hf_acc):
        hf = hf_acc[:FPT]
        acc = hf_acc[FPT:]
        wid = _wid()
        g = wid % NG
        sub = wid // NG
        for k in range(FPT):
            pltpu.sync_copy(ht_hbm.at[g * FPT + k], hf[k])

        @plsc.parallel_loop(0, NZ, unroll=5)
        def zbody(i):
            z = jnp.zeros((L,), jnp.float32)
            for k in range(FPT):
                acc[k][pl.ds(i * L, L)] = z

        def chunk(j, carry):
            off = pl.multiple_of(sub * EPP + j * CH, 8)
            pltpu.sync_copy(row_hbm.at[pl.ds(off, CH)], rowv)
            pltpu.sync_copy(col_hbm.at[pl.ds(off, CH)], colv)
            pltpu.sync_copy(norm_hbm.at[pl.ds(off, CH)], normv)

            @plsc.parallel_loop(0, CH // L, unroll=5)
            def body(i):
                sl = pl.ds(i * L, L)
                r = rowv[sl]
                c = colv[sl]
                nv = normv[sl]
                for k in range(FPT):
                    hv = plsc.load_gather(hf[k], [r])
                    plsc.addupdate_scatter(acc[k], [c], nv * hv)
            return carry
        lax.fori_loop(0, NCHK, chunk, None)
        for k in range(FPT):
            pltpu.sync_copy(acc[k], out_hbm.at[sub, g * FPT + k])

    return _sc_agg


_sc_agg_l1 = _make_sc_agg(D_H)
_sc_agg_l2 = _make_sc_agg(D_OUT)
TPG1 = NW // (D_H // FPT)
TPG2 = NW // (D_OUT // FPT)


def _tc_dinv_h1t(degp, x, W1):
    def body(degp_ref, x_ref, w_ref, dinv_ref, h1t_ref):
        deg = jnp.sum(degp_ref[...], axis=0, keepdims=True) + 1.0
        safe = jnp.where(deg > 0, deg, 1.0)
        dinv_ref[...] = jnp.where(deg > 0, 1.0 / jnp.sqrt(safe), 0.0)
        h1t_ref[...] = lax.dot_general(
            w_ref[...], x_ref[...], (((0,), (1,)), ((), ())),
            preferred_element_type=jnp.float32)
    return pl.pallas_call(
        body, out_shape=(jax.ShapeDtypeStruct((1, N), jnp.float32),
                         jax.ShapeDtypeStruct((D_H, N), jnp.float32)))(
            degp, x, W1)


def _tc_mid(agg1, h1t, dinv, b1c, W2):
    def body(agg_ref, h_ref, dinv_ref, b_ref, w_ref, out_ref):
        dinv = dinv_ref[...]
        s = agg_ref[0]
        for p in range(1, TPG1):
            s = s + agg_ref[p]
        z = s + dinv * dinv * h_ref[...] + b_ref[...]
        z = jnp.maximum(z, 0.0)
        out_ref[...] = lax.dot_general(
            w_ref[...], z, (((0,), (0,)), ((), ())),
            preferred_element_type=jnp.float32)
    return pl.pallas_call(
        body, out_shape=jax.ShapeDtypeStruct((D_OUT, N), jnp.float32))(
            agg1, h1t, dinv, b1c, W2)


def _tc_final(agg2p, h2t, dinv, b2c):
    def body(agg_ref, h_ref, dinv_ref, b_ref, out_ref):
        dinv = dinv_ref[...]
        s = agg_ref[0]
        for p in range(1, TPG2):
            s = s + agg_ref[p]
        out_ref[...] = (s + dinv * dinv * h_ref[...] + b_ref[...]).T
    return pl.pallas_call(
        body, out_shape=jax.ShapeDtypeStruct((N, D_OUT), jnp.float32))(
            agg2p, h2t, dinv, b2c)


def kernel(x, edge_index, edge_weight, W1, b1, W2, b2):
    row = edge_index[0]
    col = edge_index[1]
    degp = _sc_deg(col, edge_weight)
    dinv, h1t = _tc_dinv_h1t(degp, x, W1)
    norm = _sc_norm(row, col, edge_weight, dinv)
    agg1 = _sc_agg_l1(row, col, norm, h1t)
    h2t = _tc_mid(agg1, h1t, dinv, b1.reshape(D_H, 1), W2)
    agg2p = _sc_agg_l2(row, col, norm, h2t)
    return _tc_final(agg2p, h2t, dinv, b2.reshape(D_OUT, 1))

# --- scband reference (transcript-rebuilt; emitter-appended) ---
"""Pipeline reference for scband-two-layer-gcn-29953101922492 (READ-ONLY COPY).

The authoritative reference and input builder live on the scoring server;
editing this copy changes nothing except your own understanding.
"""

import jax, jax.numpy as jnp
import numpy as np

N = 10000
E = 320000
D_IN = 128
D_H = 32
D_OUT = 16


def setup_inputs(seed: int = 0) -> dict:
    key = jax.random.key(seed)
    ks = jax.random.split(key, 6)
    x = jax.random.normal(ks[0], (N, D_IN), dtype=jnp.float32)
    edge_index = jax.random.randint(ks[1], (2, E), 0, N, dtype=jnp.int32)
    edge_weight = jax.random.uniform(ks[2], (E,), dtype=jnp.float32)
    # GCNConv learned parameters (glorot-style init)
    W1 = jax.random.normal(ks[3], (D_IN, D_H), dtype=jnp.float32) * (1.0 / np.sqrt(D_IN))
    b1 = jnp.zeros((D_H,), dtype=jnp.float32)
    W2 = jax.random.normal(ks[4], (D_H, D_OUT), dtype=jnp.float32) * (1.0 / np.sqrt(D_H))
    b2 = jnp.zeros((D_OUT,), dtype=jnp.float32)
    return {"x": x, "edge_index": edge_index, "edge_weight": edge_weight,
            "W1": W1, "b1": b1, "W2": W2, "b2": b2}


def _gcn_norm(edge_index, edge_weight, num_nodes):
    # PyG gcn_norm: add self-loops with weight 1, symmetric D^-1/2 A D^-1/2 normalization
    loop = jnp.arange(num_nodes, dtype=edge_index.dtype)
    row = jnp.concatenate([edge_index[0], loop])
    col = jnp.concatenate([edge_index[1], loop])
    ew = jnp.concatenate([edge_weight, jnp.ones((num_nodes,), dtype=edge_weight.dtype)])
    deg = jnp.zeros((num_nodes,), dtype=edge_weight.dtype).at[col].add(ew)
    safe_deg = jnp.where(deg > 0, deg, 1.0)
    dinv = jnp.where(deg > 0, 1.0 / jnp.sqrt(safe_deg), 0.0)
    norm = dinv[row] * ew * dinv[col]
    return row, col, norm


def _gcn_conv(x, W, b, row, col, norm, num_nodes):
    h = x @ W
    msg = norm[:, None] * h[row]  # gather from source nodes
    out = jnp.zeros((num_nodes, W.shape[1]), dtype=h.dtype).at[col].add(msg)  # scatter-add to targets
    return out + b


def reference(x, edge_index, edge_weight, W1, b1, W2, b2):
    row, col, norm = _gcn_norm(edge_index, edge_weight, N)
    h = _gcn_conv(x, W1, b1, row, col, norm, N)
    h = jax.nn.relu(h)
    # dropout is inactive in eval mode (identity)
    out = _gcn_conv(h, W2, b2, row, col, norm, N)
    return out

if __name__ == "__main__":
    import jax
    _d = setup_inputs()
    print(jax.jit(kernel)(*tuple(_d.values())))

</pallas_src>

<mosaic_0001>
#map = affine_map<(d0, d1) -> (0)>
#map1 = affine_map<(d0, d1) -> (0, 0)>
#map2 = affine_map<(d0, d1) -> (0, 0, 0)>
module attributes {stable_mosaic.version = 14 : i64} {
  func.func @_sc_agg(%arg0: i32, %arg1: i32, %arg2: memref<320000xi32, #tpu.memory_space<hbm>>, %arg3: memref<320000xi32, #tpu.memory_space<hbm>>, %arg4: memref<320000xf32, #tpu.memory_space<hbm>>, %arg5: memref<32x10000xf32, #tpu.memory_space<hbm>>, %arg6: memref<4x32x10000xf32, #tpu.memory_space<hbm>>, %arg7: memref<10000xi32, #tpu.memory_space<vmem>>, %arg8: memref<10000xi32, #tpu.memory_space<vmem>>, %arg9: memref<10000xf32, #tpu.memory_space<vmem>>, %arg10: memref<10000xf32, #tpu.memory_space<vmem>>, %arg11: memref<10000xf32, #tpu.memory_space<vmem>>, %arg12: memref<10000xf32, #tpu.memory_space<vmem>>, %arg13: memref<10000xf32, #tpu.memory_space<vmem>>, %arg14: memref<10000xf32, #tpu.memory_space<vmem>>, %arg15: memref<10000xf32, #tpu.memory_space<vmem>>, %arg16: memref<10000xf32, #tpu.memory_space<vmem>>, %arg17: memref<10000xf32, #tpu.memory_space<vmem>>) attributes {dimension_semantics = [#tpu.dimension_semantics<core_parallel>, #tpu.dimension_semantics<subcore_parallel>], iteration_bounds = array<i64: 2, 16>, scalar_prefetch = 0 : i64, scratch_operands = 11 : i64, tpu.core_type = #tpu.core_type<sc_vector_subcore>, window_params = [{transform_indices = #map}, {transform_indices = #map}, {transform_indices = #map}, {transform_indices = #map1}, {transform_indices = #map2}]} {
    %mul3A = arith.constant 2 : i32
    %mul3A_0 = arith.muli %arg1, %mul3A : i32
    %add3A = arith.addi %mul3A_0, %arg0 : i32
    %jit3A = arith.constant 8 : i32
    %eq3A = arith.constant 0 : i32
    %eq3A_1 = arith.cmpi eq, %jit3A, %eq3A : i32
    %jit3A_2 = arith.constant 1 : i32
    %select_n3A = arith.select %eq3A_1, %jit3A_2, %jit3A : i32
    %rem3A = arith.remsi %add3A, %select_n3A : i32
    %ne3A = arith.constant 0 : i32
    %ne3A_3 = arith.cmpi ne, %rem3A, %ne3A : i32
    %lt3A = arith.constant 0 : i32
    %lt3A_4 = arith.cmpi slt, %rem3A, %lt3A : i32
    %lt3A_5 = arith.constant 0 : i32
    %lt3A_6 = arith.cmpi slt, %select_n3A, %lt3A_5 : i32
    %ne3A_7 = arith.xori %lt3A_4, %lt3A_6 : i1
    %and3A = arith.andi %ne3A_7, %ne3A_3 : i1
    %add3A_8 = arith.addi %rem3A, %select_n3A : i32
    %select_n3A_9 = arith.select %and3A, %add3A_8, %rem3A : i32
    %jit3A_10 = arith.constant 8 : i32
    %div3A = arith.divsi %add3A, %jit3A_10 : i32
    %sign3A = arith.constant 0 : i32
    %sign3A_11 = arith.cmpi sgt, %add3A, %sign3A : i32
    %sign3A_12 = arith.extui %sign3A_11 : i1 to i32
    %sign3A_13 = arith.constant 0 : i32
    %sign3A_14 = arith.cmpi slt, %add3A, %sign3A_13 : i32
    %sign3A_15 = arith.extui %sign3A_14 : i1 to i32
    %sign3A_16 = arith.subi %sign3A_12, %sign3A_15 : i32
    %sign3A_17 = arith.constant 0 : i32
    %sign3A_18 = arith.cmpi sgt, %jit3A_10, %sign3A_17 : i32
    %sign3A_19 = arith.extui %sign3A_18 : i1 to i32
    %sign3A_20 = arith.constant 0 : i32
    %sign3A_21 = arith.cmpi slt, %jit3A_10, %sign3A_20 : i32
    %sign3A_22 = arith.extui %sign3A_21 : i1 to i32
    %sign3A_23 = arith.subi %sign3A_19, %sign3A_22 : i32
    %ne3A_24 = arith.cmpi ne, %sign3A_16, %sign3A_23 : i32
    %rem3A_25 = arith.remsi %add3A, %jit3A_10 : i32
    %ne3A_26 = arith.constant 0 : i32
    %ne3A_27 = arith.cmpi ne, %rem3A_25, %ne3A_26 : i32
    %and3A_28 = arith.andi %ne3A_24, %ne3A_27 : i1
    %sub3A = arith.constant 1 : i32
    %sub3A_29 = arith.subi %div3A, %sub3A : i32
    %select_n3A_30 = arith.select %and3A_28, %sub3A_29, %div3A : i32
    %mul3A_31 = arith.constant 4 : i32
    %mul3A_32 = arith.muli %select_n3A_9, %mul3A_31 : i32
    %add3A_33 = arith.constant 0 : i32
    %add3A_34 = arith.addi %mul3A_32, %add3A_33 : i32
    "tpu.region"() ({
      %run_scoped3A = tpu.sem_alloc : memref<!tpu.dma_semaphore, #tpu.memory_space<semaphore_mem>>
      %dma_start3A = arith.constant 0 : i32
      %dma_start3A_69 = tpu.memref_slice %arg5[%add3A_34, %dma_start3A] : memref<32x10000xf32, #tpu.memory_space<hbm>> -> memref<1x10000xf32, #tpu.memory_space<hbm>>
      %dma_start3A_70 = tpu.memref_squeeze %dma_start3A_69 : memref<1x10000xf32, #tpu.memory_space<hbm>> -> memref<10000xf32, #tpu.memory_space<hbm>>
      %dma_start3A_71 = arith.constant 0 : i32
      %dma_start3A_72 = tpu.memref_slice %arg5[%add3A_34, %dma_start3A_71] : memref<32x10000xf32, #tpu.memory_space<hbm>> -> memref<1x10000xf32, #tpu.memory_space<hbm>>
      %dma_start3A_73 = tpu.memref_squeeze %dma_start3A_72 : memref<1x10000xf32, #tpu.memory_space<hbm>> -> memref<10000xf32, #tpu.memory_space<hbm>>
      tpu.enqueue_dma source(%dma_start3A_73 : memref<10000xf32, #tpu.memory_space<hbm>>) target(%arg10 : memref<10000xf32, #tpu.memory_space<vmem>>) target_semaphore(%run_scoped3A : memref<!tpu.dma_semaphore, #tpu.memory_space<semaphore_mem>>)
      %dma_wait3A = arith.constant 0 : i32
      %dma_wait3A_74 = tpu.memref_slice %arg5[%add3A_34, %dma_wait3A] : memref<32x10000xf32, #tpu.memory_space<hbm>> -> memref<1x10000xf32, #tpu.memory_space<hbm>>
      %dma_wait3A_75 = tpu.memref_squeeze %dma_wait3A_74 : memref<1x10000xf32, #tpu.memory_space<hbm>> -> memref<10000xf32, #tpu.memory_space<hbm>>
      %dma_wait3A_76 = arith.constant 0 : i32
      %dma_wait3A_77 = tpu.memref_slice %arg5[%add3A_34, %dma_wait3A_76] : memref<32x10000xf32, #tpu.memory_space<hbm>> -> memref<1x10000xf32, #tpu.memory_space<hbm>>
      %dma_wait3A_78 = tpu.memref_squeeze %dma_wait3A_77 : memref<1x10000xf32, #tpu.memory_space<hbm>> -> memref<10000xf32, #tpu.memory_space<hbm>>
      tpu.wait_dma2 semaphore(%run_scoped3A : memref<!tpu.dma_semaphore, #tpu.memory_space<semaphore_mem>>) src(%dma_wait3A_78 : memref<10000xf32, #tpu.memory_space<hbm>>) dst(%arg10 : memref<10000xf32, #tpu.memory_space<vmem>>)
      tpu.yield
    }) : () -> ()
    %mul3A_35 = arith.constant 4 : i32
    %mul3A_36 = arith.muli %select_n3A_9, %mul3A_35 : i32
    %add3A_37 = arith.constant 1 : i32
    %add3A_38 = arith.addi %mul3A_36, %add3A_37 : i32
    "tpu.region"() ({
      %run_scoped3A = tpu.sem_alloc : memref<!tpu.dma_semaphore, #tpu.memory_space<semaphore_mem>>
      %dma_start3A = arith.constant 0 : i32
      %dma_start3A_69 = tpu.memref_slice %arg5[%add3A_38, %dma_start3A] : memref<32x10000xf32, #tpu.memory_space<hbm>> -> memref<1x10000xf32, #tpu.memory_space<hbm>>
      %dma_start3A_70 = tpu.memref_squeeze %dma_start3A_69 : memref<1x10000xf32, #tpu.memory_space<hbm>> -> memref<10000xf32, #tpu.memory_space<hbm>>
      %dma_start3A_71 = arith.constant 0 : i32
      %dma_start3A_72 = tpu.memref_slice %arg5[%add3A_38, %dma_start3A_71] : memref<32x10000xf32, #tpu.memory_space<hbm>> -> memref<1x10000xf32, #tpu.memory_space<hbm>>
      %dma_start3A_73 = tpu.memref_squeeze %dma_start3A_72 : memref<1x10000xf32, #tpu.memory_space<hbm>> -> memref<10000xf32, #tpu.memory_space<hbm>>
      tpu.enqueue_dma source(%dma_start3A_73 : memref<10000xf32, #tpu.memory_space<hbm>>) target(%arg11 : memref<10000xf32, #tpu.memory_space<vmem>>) target_semaphore(%run_scoped3A : memref<!tpu.dma_semaphore, #tpu.memory_space<semaphore_mem>>)
      %dma_wait3A = arith.constant 0 : i32
      %dma_wait3A_74 = tpu.memref_slice %arg5[%add3A_38, %dma_wait3A] : memref<32x10000xf32, #tpu.memory_space<hbm>> -> memref<1x10000xf32, #tpu.memory_space<hbm>>
      %dma_wait3A_75 = tpu.memref_squeeze %dma_wait3A_74 : memref<1x10000xf32, #tpu.memory_space<hbm>> -> memref<10000xf32, #tpu.memory_space<hbm>>
      %dma_wait3A_76 = arith.constant 0 : i32
      %dma_wait3A_77 = tpu.memref_slice %arg5[%add3A_38, %dma_wait3A_76] : memref<32x10000xf32, #tpu.memory_space<hbm>> -> memref<1x10000xf32, #tpu.memory_space<hbm>>
      %dma_wait3A_78 = tpu.memref_squeeze %dma_wait3A_77 : memref<1x10000xf32, #tpu.memory_space<hbm>> -> memref<10000xf32, #tpu.memory_space<hbm>>
      tpu.wait_dma2 semaphore(%run_scoped3A : memref<!tpu.dma_semaphore, #tpu.memory_space<semaphore_mem>>) src(%dma_wait3A_78 : memref<10000xf32, #tpu.memory_space<hbm>>) dst(%arg11 : memref<10000xf32, #tpu.memory_space<vmem>>)
      tpu.yield
    }) : () -> ()
    %mul3A_39 = arith.constant 4 : i32
    %mul3A_40 = arith.muli %select_n3A_9, %mul3A_39 : i32
    %add3A_41 = arith.constant 2 : i32
    %add3A_42 = arith.addi %mul3A_40, %add3A_41 : i32
    "tpu.region"() ({
      %run_scoped3A = tpu.sem_alloc : memref<!tpu.dma_semaphore, #tpu.memory_space<semaphore_mem>>
      %dma_start3A = arith.constant 0 : i32
      %dma_start3A_69 = tpu.memref_slice %arg5[%add3A_42, %dma_start3A] : memref<32x10000xf32, #tpu.memory_space<hbm>> -> memref<1x10000xf32, #tpu.memory_space<hbm>>
      %dma_start3A_70 = tpu.memref_squeeze %dma_start3A_69 : memref<1x10000xf32, #tpu.memory_space<hbm>> -> memref<10000xf32, #tpu.memory_space<hbm>>
      %dma_start3A_71 = arith.constant 0 : i32
      %dma_start3A_72 = tpu.memref_slice %arg5[%add3A_42, %dma_start3A_71] : memref<32x10000xf32, #tpu.memory_space<hbm>> -> memref<1x10000xf32, #tpu.memory_space<hbm>>
      %dma_start3A_73 = tpu.memref_squeeze %dma_start3A_72 : memref<1x10000xf32, #tpu.memory_space<hbm>> -> memref<10000xf32, #tpu.memory_space<hbm>>
      tpu.enqueue_dma source(%dma_start3A_73 : memref<10000xf32, #tpu.memory_space<hbm>>) target(%arg12 : memref<10000xf32, #tpu.memory_space<vmem>>) target_semaphore(%run_scoped3A : memref<!tpu.dma_semaphore, #tpu.memory_space<semaphore_mem>>)
      %dma_wait3A = arith.constant 0 : i32
      %dma_wait3A_74 = tpu.memref_slice %arg5[%add3A_42, %dma_wait3A] : memref<32x10000xf32, #tpu.memory_space<hbm>> -> memref<1x10000xf32, #tpu.memory_space<hbm>>
      %dma_wait3A_75 = tpu.memref_squeeze %dma_wait3A_74 : memref<1x10000xf32, #tpu.memory_space<hbm>> -> memref<10000xf32, #tpu.memory_space<hbm>>
      %dma_wait3A_76 = arith.constant 0 : i32
      %dma_wait3A_77 = tpu.memref_slice %arg5[%add3A_42, %dma_wait3A_76] : memref<32x10000xf32, #tpu.memory_space<hbm>> -> memref<1x10000xf32, #tpu.memory_space<hbm>>
      %dma_wait3A_78 = tpu.memref_squeeze %dma_wait3A_77 : memref<1x10000xf32, #tpu.memory_space<hbm>> -> memref<10000xf32, #tpu.memory_space<hbm>>
      tpu.wait_dma2 semaphore(%run_scoped3A : memref<!tpu.dma_semaphore, #tpu.memory_space<semaphore_mem>>) src(%dma_wait3A_78 : memref<10000xf32, #tpu.memory_space<hbm>>) dst(%arg12 : memref<10000xf32, #tpu.memory_space<vmem>>)
      tpu.yield
    }) : () -> ()
    %mul3A_43 = arith.constant 4 : i32
    %mul3A_44 = arith.muli %select_n3A_9, %mul3A_43 : i32
    %add3A_45 = arith.constant 3 : i32
    %add3A_46 = arith.addi %mul3A_44, %add3A_45 : i32
    "tpu.region"() ({
      %run_scoped3A = tpu.sem_alloc : memref<!tpu.dma_semaphore, #tpu.memory_space<semaphore_mem>>
      %dma_start3A = arith.constant 0 : i32
      %dma_start3A_69 = tpu.memref_slice %arg5[%add3A_46, %dma_start3A] : memref<32x10000xf32, #tpu.memory_space<hbm>> -> memref<1x10000xf32, #tpu.memory_space<hbm>>
      %dma_start3A_70 = tpu.memref_squeeze %dma_start3A_69 : memref<1x10000xf32, #tpu.memory_space<hbm>> -> memref<10000xf32, #tpu.memory_space<hbm>>
      %dma_start3A_71 = arith.constant 0 : i32
      %dma_start3A_72 = tpu.memref_slice %arg5[%add3A_46, %dma_start3A_71] : memref<32x10000xf32, #tpu.memory_space<hbm>> -> memref<1x10000xf32, #tpu.memory_space<hbm>>
      %dma_start3A_73 = tpu.memref_squeeze %dma_start3A_72 : memref<1x10000xf32, #tpu.memory_space<hbm>> -> memref<10000xf32, #tpu.memory_space<hbm>>
      tpu.enqueue_dma source(%dma_start3A_73 : memref<10000xf32, #tpu.memory_space<hbm>>) target(%arg13 : memref<10000xf32, #tpu.memory_space<vmem>>) target_semaphore(%run_scoped3A : memref<!tpu.dma_semaphore, #tpu.memory_space<semaphore_mem>>)
      %dma_wait3A = arith.constant 0 : i32
      %dma_wait3A_74 = tpu.memref_slice %arg5[%add3A_46, %dma_wait3A] : memref<32x10000xf32, #tpu.memory_space<hbm>> -> memref<1x10000xf32, #tpu.memory_space<hbm>>
      %dma_wait3A_75 = tpu.memref_squeeze %dma_wait3A_74 : memref<1x10000xf32, #tpu.memory_space<hbm>> -> memref<10000xf32, #tpu.memory_space<hbm>>
      %dma_wait3A_76 = arith.constant 0 : i32
      %dma_wait3A_77 = tpu.memref_slice %arg5[%add3A_46, %dma_wait3A_76] : memref<32x10000xf32, #tpu.memory_space<hbm>> -> memref<1x10000xf32, #tpu.memory_space<hbm>>
      %dma_wait3A_78 = tpu.memref_squeeze %dma_wait3A_77 : memref<1x10000xf32, #tpu.memory_space<hbm>> -> memref<10000xf32, #tpu.memory_space<hbm>>
      tpu.wait_dma2 semaphore(%run_scoped3A : memref<!tpu.dma_semaphore, #tpu.memory_space<semaphore_mem>>) src(%dma_wait3A_78 : memref<10000xf32, #tpu.memory_space<hbm>>) dst(%arg13 : memref<10000xf32, #tpu.memory_space<vmem>>)
      tpu.yield
    }) : () -> ()
    %parallel_loop3A = arith.constant 0 : i32
    %parallel_loop3A_47 = arith.constant 625 : i32
    %parallel_loop3A_48 = arith.constant 1 : i32
    scf.for %parallel_loop3A_69 = %parallel_loop3A to %parallel_loop3A_47 step %parallel_loop3A_48  : i32 {
      %parallel_loop3A_70 = arith.constant 0.000000e+00 : f32
      %parallel_loop3A_71 = vector.broadcast %parallel_loop3A_70 : f32 to vector<16xf32>
      %parallel_loop3A_72 = arith.constant 16 : i32
      %parallel_loop3A_73 = arith.muli %parallel_loop3A_69, %parallel_loop3A_72 : i32
      %parallel_loop3A_74 = arith.index_cast %parallel_loop3A_73 : i32 to index
      %parallel_loop3A_75 = tpu.vector_load %arg14[%parallel_loop3A_74] {strides = array<i32>} : memref<10000xf32, #tpu.memory_space<vmem>>, vector<16xf32>,
      tpu.vector_store %arg14[%parallel_loop3A_74], %parallel_loop3A_71 {strides = array<i32>} : memref<10000xf32, #tpu.memory_space<vmem>>, vector<16xf32>,
      %parallel_loop3A_76 = arith.constant 16 : i32
      %parallel_loop3A_77 = arith.muli %parallel_loop3A_69, %parallel_loop3A_76 : i32
      %parallel_loop3A_78 = arith.index_cast %parallel_loop3A_77 : i32 to index
      %parallel_loop3A_79 = tpu.vector_load %arg15[%parallel_loop3A_78] {strides = array<i32>} : memref<10000xf32, #tpu.memory_space<vmem>>, vector<16xf32>,
      tpu.vector_store %arg15[%parallel_loop3A_78], %parallel_loop3A_71 {strides = array<i32>} : memref<10000xf32, #tpu.memory_space<vmem>>, vector<16xf32>,
      %parallel_loop3A_80 = arith.constant 16 : i32
      %parallel_loop3A_81 = arith.muli %parallel_loop3A_69, %parallel_loop3A_80 : i32
      %parallel_loop3A_82 = arith.index_cast %parallel_loop3A_81 : i32 to index
      %parallel_loop3A_83 = tpu.vector_load %arg16[%parallel_loop3A_82] {strides = array<i32>} : memref<10000xf32, #tpu.memory_space<vmem>>, vector<16xf32>,
      tpu.vector_store %arg16[%parallel_loop3A_82], %parallel_loop3A_71 {strides = array<i32>} : memref<10000xf32, #tpu.memory_space<vmem>>, vector<16xf32>,
      %parallel_loop3A_84 = arith.constant 16 : i32
      %parallel_loop3A_85 = arith.muli %parallel_loop3A_69, %parallel_loop3A_84 : i32
      %parallel_loop3A_86 = arith.index_cast %parallel_loop3A_85 : i32 to index
      %parallel_loop3A_87 = tpu.vector_load %arg17[%parallel_loop3A_86] {strides = array<i32>} : memref<10000xf32, #tpu.memory_space<vmem>>, vector<16xf32>,
      tpu.vector_store %arg17[%parallel_loop3A_86], %parallel_loop3A_71 {strides = array<i32>} : memref<10000xf32, #tpu.memory_space<vmem>>, vector<16xf32>,
    } {sc.loop_unroll_factor = 5 : i64, sc.parallel_access}
    %scan3A = arith.constant 0 : i32
    %scan3A_49 = arith.constant 8 : i32
    %scan3A_50 = arith.addi %scan3A, %scan3A_49 : i32
    %scan3A_51 = arith.constant 1 : i32
    scf.for %scan3A_69 = %scan3A to %scan3A_50 step %scan3A_51  : i32 {
      %mul3A_70 = arith.constant 80000 : i32
      %mul3A_71 = arith.muli %select_n3A_30, %mul3A_70 : i32
      %mul3A_72 = arith.constant 10000 : i32
      %mul3A_73 = arith.muli %scan3A_69, %mul3A_72 : i32
      %add3A_74 = arith.addi %mul3A_71, %mul3A_73 : i32
      %multiple_of3A = tpu.assume_multiple %add3A_74, 8 : i32
      "tpu.region"() ({
        %run_scoped3A = tpu.sem_alloc : memref<!tpu.dma_semaphore, #tpu.memory_space<semaphore_mem>>
        %dma_start3A = tpu.memref_slice %arg2[%multiple_of3A] : memref<320000xi32, #tpu.memory_space<hbm>> -> memref<10000xi32, #tpu.memory_space<hbm>>
        %dma_start3A_78 = tpu.memref_slice %arg2[%multiple_of3A] : memref<320000xi32, #tpu.memory_space<hbm>> -> memref<10000xi32, #tpu.memory_space<hbm>>
        tpu.enqueue_dma source(%dma_start3A_78 : memref<10000xi32, #tpu.memory_space<hbm>>) target(%arg7 : memref<10000xi32, #tpu.memory_space<vmem>>) target_semaphore(%run_scoped3A : memref<!tpu.dma_semaphore, #tpu.memory_space<semaphore_mem>>)
        %dma_wait3A = tpu.memref_slice %arg2[%multiple_of3A] : memref<320000xi32, #tpu.memory_space<hbm>> -> memref<10000xi32, #tpu.memory_space<hbm>>
        %dma_wait3A_79 = tpu.memref_slice %arg2[%multiple_of3A] : memref<320000xi32, #tpu.memory_space<hbm>> -> memref<10000xi32, #tpu.memory_space<hbm>>
        tpu.wait_dma2 semaphore(%run_scoped3A : memref<!tpu.dma_semaphore, #tpu.memory_space<semaphore_mem>>) src(%dma_wait3A_79 : memref<10000xi32, #tpu.memory_space<hbm>>) dst(%arg7 : memref<10000xi32, #tpu.memory_space<vmem>>)
        tpu.yield
      }) : () -> ()
      "tpu.region"() ({
        %run_scoped3A = tpu.sem_alloc : memref<!tpu.dma_semaphore, #tpu.memory_space<semaphore_mem>>
        %dma_start3A = tpu.memref_slice %arg3[%multiple_of3A] : memref<320000xi32, #tpu.memory_space<hbm>> -> memref<10000xi32, #tpu.memory_space<hbm>>
        %dma_start3A_78 = tpu.memref_slice %arg3[%multiple_of3A] : memref<320000xi32, #tpu.memory_space<hbm>> -> memref<10000xi32, #tpu.memory_space<hbm>>
        tpu.enqueue_dma source(%dma_start3A_78 : memref<10000xi32, #tpu.memory_space<hbm>>) target(%arg8 : memref<10000xi32, #tpu.memory_space<vmem>>) target_semaphore(%run_scoped3A : memref<!tpu.dma_semaphore, #tpu.memory_space<semaphore_mem>>)
        %dma_wait3A = tpu.memref_slice %arg3[%multiple_of3A] : memref<320000xi32, #tpu.memory_space<hbm>> -> memref<10000xi32, #tpu.memory_space<hbm>>
        %dma_wait3A_79 = tpu.memref_slice %arg3[%multiple_of3A] : memref<320000xi32, #tpu.memory_space<hbm>> -> memref<10000xi32, #tpu.memory_space<hbm>>
        tpu.wait_dma2 semaphore(%run_scoped3A : memref<!tpu.dma_semaphore, #tpu.memory_space<semaphore_mem>>) src(%dma_wait3A_79 : memref<10000xi32, #tpu.memory_space<hbm>>) dst(%arg8 : memref<10000xi32, #tpu.memory_space<vmem>>)
        tpu.yield
      }) : () -> ()
      "tpu.region"() ({
        %run_scoped3A = tpu.sem_alloc : memref<!tpu.dma_semaphore, #tpu.memory_space<semaphore_mem>>
        %dma_start3A = tpu.memref_slice %arg4[%multiple_of3A] : memref<320000xf32, #tpu.memory_space<hbm>> -> memref<10000xf32, #tpu.memory_space<hbm>>
        %dma_start3A_78 = tpu.memref_slice %arg4[%multiple_of3A] : memref<320000xf32, #tpu.memory_space<hbm>> -> memref<10000xf32, #tpu.memory_space<hbm>>
        tpu.enqueue_dma source(%dma_start3A_78 : memref<10000xf32, #tpu.memory_space<hbm>>) target(%arg9 : memref<10000xf32, #tpu.memory_space<vmem>>) target_semaphore(%run_scoped3A : memref<!tpu.dma_semaphore, #tpu.memory_space<semaphore_mem>>)
        %dma_wait3A = tpu.memref_slice %arg4[%multiple_of3A] : memref<320000xf32, #tpu.memory_space<hbm>> -> memref<10000xf32, #tpu.memory_space<hbm>>
        %dma_wait3A_79 = tpu.memref_slice %arg4[%multiple_of3A] : memref<320000xf32, #tpu.memory_space<hbm>> -> memref<10000xf32, #tpu.memory_space<hbm>>
        tpu.wait_dma2 semaphore(%run_scoped3A : memref<!tpu.dma_semaphore, #tpu.memory_space<semaphore_mem>>) src(%dma_wait3A_79 : memref<10000xf32, #tpu.memory_space<hbm>>) dst(%arg9 : memref<10000xf32, #tpu.memory_space<vmem>>)
        tpu.yield
      }) : () -> ()
      %parallel_loop3A_75 = arith.constant 0 : i32
      %parallel_loop3A_76 = arith.constant 625 : i32
      %parallel_loop3A_77 = arith.constant 1 : i32
      scf.for %parallel_loop3A_78 = %parallel_loop3A_75 to %parallel_loop3A_76 step %parallel_loop3A_77  : i32 {
        %parallel_loop3A_79 = arith.constant 16 : i32
        %parallel_loop3A_80 = arith.muli %parallel_loop3A_78, %parallel_loop3A_79 : i32
        %parallel_loop3A_81 = arith.index_cast %parallel_loop3A_80 : i32 to index
        %parallel_loop3A_82 = tpu.vector_load %arg7[%parallel_loop3A_81] {strides = array<i32>} : memref<10000xi32, #tpu.memory_space<vmem>>, vector<16xi32>,
        %parallel_loop3A_83 = arith.index_cast %parallel_loop3A_80 : i32 to index
        %parallel_loop3A_84 = tpu.vector_load %arg8[%parallel_loop3A_83] {strides = array<i32>} : memref<10000xi32, #tpu.memory_space<vmem>>, vector<16xi32>,
        %parallel_loop3A_85 = arith.index_cast %parallel_loop3A_80 : i32 to index
        %parallel_loop3A_86 = tpu.vector_load %arg9[%parallel_loop3A_85] {strides = array<i32>} : memref<10000xf32, #tpu.memory_space<vmem>>, vector<16xf32>,
        %parallel_loop3A_87 = tpu.vector_load_idx %arg10[%parallel_loop3A_82] : memref<10000xf32, #tpu.memory_space<vmem>>[vector<16xi32>], vector<16xf32>,
        %parallel_loop3A_88 = arith.mulf %parallel_loop3A_86, %parallel_loop3A_87 : vector<16xf32>
        tpu.vector_store_idx %arg14[%parallel_loop3A_84], %parallel_loop3A_88 {add = true} : memref<10000xf32, #tpu.memory_space<vmem>>[vector<16xi32>], vector<16xf32>,
        %parallel_loop3A_89 = tpu.vector_load_idx %arg11[%parallel_loop3A_82] : memref<10000xf32, #tpu.memory_space<vmem>>[vector<16xi32>], vector<16xf32>,
        %parallel_loop3A_90 = arith.mulf %parallel_loop3A_86, %parallel_loop3A_89 : vector<16xf32>
        tpu.vector_store_idx %arg15[%parallel_loop3A_84], %parallel_loop3A_90 {add = true} : memref<10000xf32, #tpu.memory_space<vmem>>[vector<16xi32>], vector<16xf32>,
        %parallel_loop3A_91 = tpu.vector_load_idx %arg12[%parallel_loop3A_82] : memref<10000xf32, #tpu.memory_space<vmem>>[vector<16xi32>], vector<16xf32>,
        %parallel_loop3A_92 = arith.mulf %parallel_loop3A_86, %parallel_loop3A_91 : vector<16xf32>
        tpu.vector_store_idx %arg16[%parallel_loop3A_84], %parallel_loop3A_92 {add = true} : memref<10000xf32, #tpu.memory_space<vmem>>[vector<16xi32>], vector<16xf32>,
        %parallel_loop3A_93 = tpu.vector_load_idx %arg13[%parallel_loop3A_82] : memref<10000xf32, #tpu.memory_space<vmem>>[vector<16xi32>], vector<16xf32>,
        %parallel_loop3A_94 = arith.mulf %parallel_loop3A_86, %parallel_loop3A_93 : vector<16xf32>
        tpu.vector_store_idx %arg17[%parallel_loop3A_84], %parallel_loop3A_94 {add = true} : memref<10000xf32, #tpu.memory_space<vmem>>[vector<16xi32>], vector<16xf32>,
      } {sc.loop_unroll_factor = 5 : i64, sc.parallel_access}
    }
    %scan3A_52 = arith.constant 8 : i32
    %mul3A_53 = arith.constant 4 : i32
    %mul3A_54 = arith.muli %select_n3A_9, %mul3A_53 : i32
    %add3A_55 = arith.constant 0 : i32
    %add3A_56 = arith.addi %mul3A_54, %add3A_55 : i32
    "tpu.region"() ({
      %run_scoped3A = tpu.sem_alloc : memref<!tpu.dma_semaphore, #tpu.memory_space<semaphore_mem>>
      %dma_start3A = arith.constant 0 : i32
      %dma_start3A_69 = tpu.memref_slice %arg6[%select_n3A_30, %add3A_56, %dma_start3A] : memref<4x32x10000xf32, #tpu.memory_space<hbm>> -> memref<1x1x10000xf32, #tpu.memory_space<hbm>>
      %dma_start3A_70 = tpu.memref_squeeze %dma_start3A_69 : memref<1x1x10000xf32, #tpu.memory_space<hbm>> -> memref<10000xf32, #tpu.memory_space<hbm>>
      %dma_start3A_71 = arith.constant 0 : i32
      %dma_start3A_72 = tpu.memref_slice %arg6[%select_n3A_30, %add3A_56, %dma_start3A_71] : memref<4x32x10000xf32, #tpu.memory_space<hbm>> -> memref<1x1x10000xf32, #tpu.memory_space<hbm>>
      %dma_start3A_73 = tpu.memref_squeeze %dma_start3A_72 : memref<1x1x10000xf32, #tpu.memory_space<hbm>> -> memref<10000xf32, #tpu.memory_space<hbm>>
      tpu.enqueue_dma source(%arg14 : memref<10000xf32, #tpu.memory_space<vmem>>) target(%dma_start3A_73 : memref<10000xf32, #tpu.memory_space<hbm>>) target_semaphore(%run_scoped3A : memref<!tpu.dma_semaphore, #tpu.memory_space<semaphore_mem>>)
      %dma_wait3A = arith.constant 0 : i32
      %dma_wait3A_74 = tpu.memref_slice %arg6[%select_n3A_30, %add3A_56, %dma_wait3A] : memref<4x32x10000xf32, #tpu.memory_space<hbm>> -> memref<1x1x10000xf32, #tpu.memory_space<hbm>>
      %dma_wait3A_75 = tpu.memref_squeeze %dma_wait3A_74 : memref<1x1x10000xf32, #tpu.memory_space<hbm>> -> memref<10000xf32, #tpu.memory_space<hbm>>
      %dma_wait3A_76 = arith.constant 0 : i32
      %dma_wait3A_77 = tpu.memref_slice %arg6[%select_n3A_30, %add3A_56, %dma_wait3A_76] : memref<4x32x10000xf32, #tpu.memory_space<hbm>> -> memref<1x1x10000xf32, #tpu.memory_space<hbm>>
      %dma_wait3A_78 = tpu.memref_squeeze %dma_wait3A_77 : memref<1x1x10000xf32, #tpu.memory_space<hbm>> -> memref<10000xf32, #tpu.memory_space<hbm>>
      tpu.wait_dma2 semaphore(%run_scoped3A : memref<!tpu.dma_semaphore, #tpu.memory_space<semaphore_mem>>) src(%arg14 : memref<10000xf32, #tpu.memory_space<vmem>>) dst(%dma_wait3A_78 : memref<10000xf32, #tpu.memory_space<hbm>>)
      tpu.yield
    }) : () -> ()
    %mul3A_57 = arith.constant 4 : i32
    %mul3A_58 = arith.muli %select_n3A_9, %mul3A_57 : i32
    %add3A_59 = arith.constant 1 : i32
    %add3A_60 = arith.addi %mul3A_58, %add3A_59 : i32
    "tpu.region"() ({
      %run_scoped3A = tpu.sem_alloc : memref<!tpu.dma_semaphore, #tpu.memory_space<semaphore_mem>>
      %dma_start3A = arith.constant 0 : i32
      %dma_start3A_69 = tpu.memref_slice %arg6[%select_n3A_30, %add3A_60, %dma_start3A] : memref<4x32x10000xf32, #tpu.memory_space<hbm>> -> memref<1x1x10000xf32, #tpu.memory_space<hbm>>
      %dma_start3A_70 = tpu.memref_squeeze %dma_start3A_69 : memref<1x1x10000xf32, #tpu.memory_space<hbm>> -> memref<10000xf32, #tpu.memory_space<hbm>>
      %dma_start3A_71 = arith.constant 0 : i32
      %dma_start3A_72 = tpu.memref_slice %arg6[%select_n3A_30, %add3A_60, %dma_start3A_71] : memref<4x32x10000xf32, #tpu.memory_space<hbm>> -> memref<1x1x10000xf32, #tpu.memory_space<hbm>>
      %dma_start3A_73 = tpu.memref_squeeze %dma_start3A_72 : memref<1x1x10000xf32, #tpu.memory_space<hbm>> -> memref<10000xf32, #tpu.memory_space<hbm>>
      tpu.enqueue_dma source(%arg15 : memref<10000xf32, #tpu.memory_space<vmem>>) target(%dma_start3A_73 : memref<10000xf32, #tpu.memory_space<hbm>>) target_semaphore(%run_scoped3A : memref<!tpu.dma_semaphore, #tpu.memory_space<semaphore_mem>>)
      %dma_wait3A = arith.constant 0 : i32
      %dma_wait3A_74 = tpu.memref_slice %arg6[%select_n3A_30, %add3A_60, %dma_wait3A] : memref<4x32x10000xf32, #tpu.memory_space<hbm>> -> memref<1x1x10000xf32, #tpu.memory_space<hbm>>
      %dma_wait3A_75 = tpu.memref_squeeze %dma_wait3A_74 : memref<1x1x10000xf32, #tpu.memory_space<hbm>> -> memref<10000xf32, #tpu.memory_space<hbm>>
      %dma_wait3A_76 = arith.constant 0 : i32
      %dma_wait3A_77 = tpu.memref_slice %arg6[%select_n3A_30, %add3A_60, %dma_wait3A_76] : memref<4x32x10000xf32, #tpu.memory_space<hbm>> -> memref<1x1x10000xf32, #tpu.memory_space<hbm>>
      %dma_wait3A_78 = tpu.memref_squeeze %dma_wait3A_77 : memref<1x1x10000xf32, #tpu.memory_space<hbm>> -> memref<10000xf32, #tpu.memory_space<hbm>>
      tpu.wait_dma2 semaphore(%run_scoped3A : memref<!tpu.dma_semaphore, #tpu.memory_space<semaphore_mem>>) src(%arg15 : memref<10000xf32, #tpu.memory_space<vmem>>) dst(%dma_wait3A_78 : memref<10000xf32, #tpu.memory_space<hbm>>)
      tpu.yield
    }) : () -> ()
    %mul3A_61 = arith.constant 4 : i32
    %mul3A_62 = arith.muli %select_n3A_9, %mul3A_61 : i32
    %add3A_63 = arith.constant 2 : i32
    %add3A_64 = arith.addi %mul3A_62, %add3A_63 : i32
    "tpu.region"() ({
      %run_scoped3A = tpu.sem_alloc : memref<!tpu.dma_semaphore, #tpu.memory_space<semaphore_mem>>
      %dma_start3A = arith.constant 0 : i32
      %dma_start3A_69 = tpu.memref_slice %arg6[%select_n3A_30, %add3A_64, %dma_start3A] : memref<4x32x10000xf32, #tpu.memory_space<hbm>> -> memref<1x1x10000xf32, #tpu.memory_space<hbm>>
      %dma_start3A_70 = tpu.memref_squeeze %dma_start3A_69 : memref<1x1x10000xf32, #tpu.memory_space<hbm>> -> memref<10000xf32, #tpu.memory_space<hbm>>
      %dma_start3A_71 = arith.constant 0 : i32
      %dma_start3A_72 = tpu.memref_slice %arg6[%select_n3A_30, %add3A_64, %dma_start3A_71] : memref<4x32x10000xf32, #tpu.memory_space<hbm>> -> memref<1x1x10000xf32, #tpu.memory_space<hbm>>
      %dma_start3A_73 = tpu.memref_squeeze %dma_start3A_72 : memref<1x1x10000xf32, #tpu.memory_space<hbm>> -> memref<10000xf32, #tpu.memory_space<hbm>>
      tpu.enqueue_dma source(%arg16 : memref<10000xf32, #tpu.memory_space<vmem>>) target(%dma_start3A_73 : memref<10000xf32, #tpu.memory_space<hbm>>) target_semaphore(%run_scoped3A : memref<!tpu.dma_semaphore, #tpu.memory_space<semaphore_mem>>)
      %dma_wait3A = arith.constant 0 : i32
      %dma_wait3A_74 = tpu.memref_slice %arg6[%select_n3A_30, %add3A_64, %dma_wait3A] : memref<4x32x10000xf32, #tpu.memory_space<hbm>> -> memref<1x1x10000xf32, #tpu.memory_space<hbm>>
      %dma_wait3A_75 = tpu.memref_squeeze %dma_wait3A_74 : memref<1x1x10000xf32, #tpu.memory_space<hbm>> -> memref<10000xf32, #tpu.memory_space<hbm>>
      %dma_wait3A_76 = arith.constant 0 : i32
      %dma_wait3A_77 = tpu.memref_slice %arg6[%select_n3A_30, %add3A_64, %dma_wait3A_76] : memref<4x32x10000xf32, #tpu.memory_space<hbm>> -> memref<1x1x10000xf32, #tpu.memory_space<hbm>>
      %dma_wait3A_78 = tpu.memref_squeeze %dma_wait3A_77 : memref<1x1x10000xf32, #tpu.memory_space<hbm>> -> memref<10000xf32, #tpu.memory_space<hbm>>
      tpu.wait_dma2 semaphore(%run_scoped3A : memref<!tpu.dma_semaphore, #tpu.memory_space<semaphore_mem>>) src(%arg16 : memref<10000xf32, #tpu.memory_space<vmem>>) dst(%dma_wait3A_78 : memref<10000xf32, #tpu.memory_space<hbm>>)
      tpu.yield
    }) : () -> ()
    %mul3A_65 = arith.constant 4 : i32
    %mul3A_66 = arith.muli %select_n3A_9, %mul3A_65 : i32
    %add3A_67 = arith.constant 3 : i32
    %add3A_68 = arith.addi %mul3A_66, %add3A_67 : i32
    "tpu.region"() ({
      %run_scoped3A = tpu.sem_alloc : memref<!tpu.dma_semaphore, #tpu.memory_space<semaphore_mem>>
      %dma_start3A = arith.constant 0 : i32
      %dma_start3A_69 = tpu.memref_slice %arg6[%select_n3A_30, %add3A_68, %dma_start3A] : memref<4x32x10000xf32, #tpu.memory_space<hbm>> -> memref<1x1x10000xf32, #tpu.memory_space<hbm>>
      %dma_start3A_70 = tpu.memref_squeeze %dma_start3A_69 : memref<1x1x10000xf32, #tpu.memory_space<hbm>> -> memref<10000xf32, #tpu.memory_space<hbm>>
      %dma_start3A_71 = arith.constant 0 : i32
      %dma_start3A_72 = tpu.memref_slice %arg6[%select_n3A_30, %add3A_68, %dma_start3A_71] : memref<4x32x10000xf32, #tpu.memory_space<hbm>> -> memref<1x1x10000xf32, #tpu.memory_space<hbm>>
      %dma_start3A_73 = tpu.memref_squeeze %dma_start3A_72 : memref<1x1x10000xf32, #tpu.memory_space<hbm>> -> memref<10000xf32, #tpu.memory_space<hbm>>
      tpu.enqueue_dma source(%arg17 : memref<10000xf32, #tpu.memory_space<vmem>>) target(%dma_start3A_73 : memref<10000xf32, #tpu.memory_space<hbm>>) target_semaphore(%run_scoped3A : memref<!tpu.dma_semaphore, #tpu.memory_space<semaphore_mem>>)
      %dma_wait3A = arith.constant 0 : i32
      %dma_wait3A_74 = tpu.memref_slice %arg6[%select_n3A_30, %add3A_68, %dma_wait3A] : memref<4x32x10000xf32, #tpu.memory_space<hbm>> -> memref<1x1x10000xf32, #tpu.memory_space<hbm>>
      %dma_wait3A_75 = tpu.memref_squeeze %dma_wait3A_74 : memref<1x1x10000xf32, #tpu.memory_space<hbm>> -> memref<10000xf32, #tpu.memory_space<hbm>>
      %dma_wait3A_76 = arith.constant 0 : i32
      %dma_wait3A_77 = tpu.memref_slice %arg6[%select_n3A_30, %add3A_68, %dma_wait3A_76] : memref<4x32x10000xf32, #tpu.memory_space<hbm>> -> memref<1x1x10000xf32, #tpu.memory_space<hbm>>
      %dma_wait3A_78 = tpu.memref_squeeze %dma_wait3A_77 : memref<1x1x10000xf32, #tpu.memory_space<hbm>> -> memref<10000xf32, #tpu.memory_space<hbm>>
      tpu.wait_dma2 semaphore(%run_scoped3A : memref<!tpu.dma_semaphore, #tpu.memory_space<semaphore_mem>>) src(%arg17 : memref<10000xf32, #tpu.memory_space<vmem>>) dst(%dma_wait3A_78 : memref<10000xf32, #tpu.memory_space<hbm>>)
      tpu.yield
    }) : () -> ()
    return
  }
}

#map = affine_map<(d0, d1) -> (0)>
#map1 = affine_map<(d0, d1) -> (0, 0)>
#map2 = affine_map<(d0, d1) -> (0, 0, 0)>
module attributes {stable_mosaic.version = 14 : i64} {
  func.func @_sc_agg(%arg0: i32, %arg1: i32, %arg2: memref<320000xi32, #tpu.memory_space<hbm>>, %arg3: memref<320000xi32, #tpu.memory_space<hbm>>, %arg4: memref<320000xf32, #tpu.memory_space<hbm>>, %arg5: memref<16x10000xf32, #tpu.memory_space<hbm>>, %arg6: memref<8x16x10000xf32, #tpu.memory_space<hbm>>, %arg7: memref<10000xi32, #tpu.memory_space<vmem>>, %arg8: memref<10000xi32, #tpu.memory_space<vmem>>, %arg9: memref<10000xf32, #tpu.memory_space<vmem>>, %arg10: memref<10000xf32, #tpu.memory_space<vmem>>, %arg11: memref<10000xf32, #tpu.memory_space<vmem>>, %arg12: memref<10000xf32, #tpu.memory_space<vmem>>, %arg13: memref<10000xf32, #tpu.memory_space<vmem>>, %arg14: memref<10000xf32, #tpu.memory_space<vmem>>, %arg15: memref<10000xf32, #tpu.memory_space<vmem>>, %arg16: memref<10000xf32, #tpu.memory_space<vmem>>, %arg17: memref<10000xf32, #tpu.memory_space<vmem>>) attributes {dimension_semantics = [#tpu.dimension_semantics<core_parallel>, #tpu.dimension_semantics<subcore_parallel>], iteration_bounds = array<i64: 2, 16>, scalar_prefetch = 0 : i64, scratch_operands = 11 : i64, tpu.core_type = #tpu.core_type<sc_vector_subcore>, window_params = [{transform_indices = #map}, {transform_indices = #map}, {transform_indices = #map}, {transform_indices = #map1}, {transform_indices = #map2}]} {
    %mul3A = arith.constant 2 : i32
    %mul3A_0 = arith.muli %arg1, %mul3A : i32
    %add3A = arith.addi %mul3A_0, %arg0 : i32
    %jit3A = arith.constant 4 : i32
    %eq3A = arith.constant 0 : i32
    %eq3A_1 = arith.cmpi eq, %jit3A, %eq3A : i32
    %jit3A_2 = arith.constant 1 : i32
    %select_n3A = arith.select %eq3A_1, %jit3A_2, %jit3A : i32
    %rem3A = arith.remsi %add3A, %select_n3A : i32
    %ne3A = arith.constant 0 : i32
    %ne3A_3 = arith.cmpi ne, %rem3A, %ne3A : i32
    %lt3A = arith.constant 0 : i32
    %lt3A_4 = arith.cmpi slt, %rem3A, %lt3A : i32
    %lt3A_5 = arith.constant 0 : i32
    %lt3A_6 = arith.cmpi slt, %select_n3A, %lt3A_5 : i32
    %ne3A_7 = arith.xori %lt3A_4, %lt3A_6 : i1
    %and3A = arith.andi %ne3A_7, %ne3A_3 : i1
    %add3A_8 = arith.addi %rem3A, %select_n3A : i32
    %select_n3A_9 = arith.select %and3A, %add3A_8, %rem3A : i32
    %jit3A_10 = arith.constant 4 : i32
    %div3A = arith.divsi %add3A, %jit3A_10 : i32
    %sign3A = arith.constant 0 : i32
    %sign3A_11 = arith.cmpi sgt, %add3A, %sign3A : i32
    %sign3A_12 = arith.extui %sign3A_11 : i1 to i32
    %sign3A_13 = arith.constant 0 : i32
    %sign3A_14 = arith.cmpi slt, %add3A, %sign3A_13 : i32
    %sign3A_15 = arith.extui %sign3A_14 : i1 to i32
    %sign3A_16 = arith.subi %sign3A_12, %sign3A_15 : i32
    %sign3A_17 = arith.constant 0 : i32
    %sign3A_18 = arith.cmpi sgt, %jit3A_10, %sign3A_17 : i32
    %sign3A_19 = arith.extui %sign3A_18 : i1 to i32
    %sign3A_20 = arith.constant 0 : i32
    %sign3A_21 = arith.cmpi slt, %jit3A_10, %sign3A_20 : i32
    %sign3A_22 = arith.extui %sign3A_21 : i1 to i32
    %sign3A_23 = arith.subi %sign3A_19, %sign3A_22 : i32
    %ne3A_24 = arith.cmpi ne, %sign3A_16, %sign3A_23 : i32
    %rem3A_25 = arith.remsi %add3A, %jit3A_10 : i32
    %ne3A_26 = arith.constant 0 : i32
    %ne3A_27 = arith.cmpi ne, %rem3A_25, %ne3A_26 : i32
    %and3A_28 = arith.andi %ne3A_24, %ne3A_27 : i1
    %sub3A = arith.constant 1 : i32
    %sub3A_29 = arith.subi %div3A, %sub3A : i32
    %select_n3A_30 = arith.select %and3A_28, %sub3A_29, %div3A : i32
    %mul3A_31 = arith.constant 4 : i32
    %mul3A_32 = arith.muli %select_n3A_9, %mul3A_31 : i32
    %add3A_33 = arith.constant 0 : i32
    %add3A_34 = arith.addi %mul3A_32, %add3A_33 : i32
    "tpu.region"() ({
      %run_scoped3A = tpu.sem_alloc : memref<!tpu.dma_semaphore, #tpu.memory_space<semaphore_mem>>
      %dma_start3A = arith.constant 0 : i32
      %dma_start3A_69 = tpu.memref_slice %arg5[%add3A_34, %dma_start3A] : memref<16x10000xf32, #tpu.memory_space<hbm>> -> memref<1x10000xf32, #tpu.memory_space<hbm>>
      %dma_start3A_70 = tpu.memref_squeeze %dma_start3A_69 : memref<1x10000xf32, #tpu.memory_space<hbm>> -> memref<10000xf32, #tpu.memory_space<hbm>>
      %dma_start3A_71 = arith.constant 0 : i32
      %dma_start3A_72 = tpu.memref_slice %arg5[%add3A_34, %dma_start3A_71] : memref<16x10000xf32, #tpu.memory_space<hbm>> -> memref<1x10000xf32, #tpu.memory_space<hbm>>
      %dma_start3A_73 = tpu.memref_squeeze %dma_start3A_72 : memref<1x10000xf32, #tpu.memory_space<hbm>> -> memref<10000xf32, #tpu.memory_space<hbm>>
      tpu.enqueue_dma source(%dma_start3A_73 : memref<10000xf32, #tpu.memory_space<hbm>>) target(%arg10 : memref<10000xf32, #tpu.memory_space<vmem>>) target_semaphore(%run_scoped3A : memref<!tpu.dma_semaphore, #tpu.memory_space<semaphore_mem>>)
      %dma_wait3A = arith.constant 0 : i32
      %dma_wait3A_74 = tpu.memref_slice %arg5[%add3A_34, %dma_wait3A] : memref<16x10000xf32, #tpu.memory_space<hbm>> -> memref<1x10000xf32, #tpu.memory_space<hbm>>
      %dma_wait3A_75 = tpu.memref_squeeze %dma_wait3A_74 : memref<1x10000xf32, #tpu.memory_space<hbm>> -> memref<10000xf32, #tpu.memory_space<hbm>>
      %dma_wait3A_76 = arith.constant 0 : i32
      %dma_wait3A_77 = tpu.memref_slice %arg5[%add3A_34, %dma_wait3A_76] : memref<16x10000xf32, #tpu.memory_space<hbm>> -> memref<1x10000xf32, #tpu.memory_space<hbm>>
      %dma_wait3A_78 = tpu.memref_squeeze %dma_wait3A_77 : memref<1x10000xf32, #tpu.memory_space<hbm>> -> memref<10000xf32, #tpu.memory_space<hbm>>
      tpu.wait_dma2 semaphore(%run_scoped3A : memref<!tpu.dma_semaphore, #tpu.memory_space<semaphore_mem>>) src(%dma_wait3A_78 : memref<10000xf32, #tpu.memory_space<hbm>>) dst(%arg10 : memref<10000xf32, #tpu.memory_space<vmem>>)
      tpu.yield
    }) : () -> ()
    %mul3A_35 = arith.constant 4 : i32
    %mul3A_36 = arith.muli %select_n3A_9, %mul3A_35 : i32
    %add3A_37 = arith.constant 1 : i32
    %add3A_38 = arith.addi %mul3A_36, %add3A_37 : i32
    "tpu.region"() ({
      %run_scoped3A = tpu.sem_alloc : memref<!tpu.dma_semaphore, #tpu.memory_space<semaphore_mem>>
      %dma_start3A = arith.constant 0 : i32
      %dma_start3A_69 = tpu.memref_slice %arg5[%add3A_38, %dma_start3A] : memref<16x10000xf32, #tpu.memory_space<hbm>> -> memref<1x10000xf32, #tpu.memory_space<hbm>>
      %dma_start3A_70 = tpu.memref_squeeze %dma_start3A_69 : memref<1x10000xf32, #tpu.memory_space<hbm>> -> memref<10000xf32, #tpu.memory_space<hbm>>
      %dma_start3A_71 = arith.constant 0 : i32
      %dma_start3A_72 = tpu.memref_slice %arg5[%add3A_38, %dma_start3A_71] : memref<16x10000xf32, #tpu.memory_space<hbm>> -> memref<1x10000xf32, #tpu.memory_space<hbm>>
      %dma_start3A_73 = tpu.memref_squeeze %dma_start3A_72 : memref<1x10000xf32, #tpu.memory_space<hbm>> -> memref<10000xf32, #tpu.memory_space<hbm>>
      tpu.enqueue_dma source(%dma_start3A_73 : memref<10000xf32, #tpu.memory_space<hbm>>) target(%arg11 : memref<10000xf32, #tpu.memory_space<vmem>>) target_semaphore(%run_scoped3A : memref<!tpu.dma_semaphore, #tpu.memory_space<semaphore_mem>>)
      %dma_wait3A = arith.constant 0 : i32
      %dma_wait3A_74 = tpu.memref_slice %arg5[%add3A_38, %dma_wait3A] : memref<16x10000xf32, #tpu.memory_space<hbm>> -> memref<1x10000xf32, #tpu.memory_space<hbm>>
      %dma_wait3A_75 = tpu.memref_squeeze %dma_wait3A_74 : memref<1x10000xf32, #tpu.memory_space<hbm>> -> memref<10000xf32, #tpu.memory_space<hbm>>
      %dma_wait3A_76 = arith.constant 0 : i32
      %dma_wait3A_77 = tpu.memref_slice %arg5[%add3A_38, %dma_wait3A_76] : memref<16x10000xf32, #tpu.memory_space<hbm>> -> memref<1x10000xf32, #tpu.memory_space<hbm>>
      %dma_wait3A_78 = tpu.memref_squeeze %dma_wait3A_77 : memref<1x10000xf32, #tpu.memory_space<hbm>> -> memref<10000xf32, #tpu.memory_space<hbm>>
      tpu.wait_dma2 semaphore(%run_scoped3A : memref<!tpu.dma_semaphore, #tpu.memory_space<semaphore_mem>>) src(%dma_wait3A_78 : memref<10000xf32, #tpu.memory_space<hbm>>) dst(%arg11 : memref<10000xf32, #tpu.memory_space<vmem>>)
      tpu.yield
    }) : () -> ()
    %mul3A_39 = arith.constant 4 : i32
    %mul3A_40 = arith.muli %select_n3A_9, %mul3A_39 : i32
    %add3A_41 = arith.constant 2 : i32
    %add3A_42 = arith.addi %mul3A_40, %add3A_41 : i32
    "tpu.region"() ({
      %run_scoped3A = tpu.sem_alloc : memref<!tpu.dma_semaphore, #tpu.memory_space<semaphore_mem>>
      %dma_start3A = arith.constant 0 : i32
      %dma_start3A_69 = tpu.memref_slice %arg5[%add3A_42, %dma_start3A] : memref<16x10000xf32, #tpu.memory_space<hbm>> -> memref<1x10000xf32, #tpu.memory_space<hbm>>
      %dma_start3A_70 = tpu.memref_squeeze %dma_start3A_69 : memref<1x10000xf32, #tpu.memory_space<hbm>> -> memref<10000xf32, #tpu.memory_space<hbm>>
      %dma_start3A_71 = arith.constant 0 : i32
      %dma_start3A_72 = tpu.memref_slice %arg5[%add3A_42, %dma_start3A_71] : memref<16x10000xf32, #tpu.memory_space<hbm>> -> memref<1x10000xf32, #tpu.memory_space<hbm>>
      %dma_start3A_73 = tpu.memref_squeeze %dma_start3A_72 : memref<1x10000xf32, #tpu.memory_space<hbm>> -> memref<10000xf32, #tpu.memory_space<hbm>>
      tpu.enqueue_dma source(%dma_start3A_73 : memref<10000xf32, #tpu.memory_space<hbm>>) target(%arg12 : memref<10000xf32, #tpu.memory_space<vmem>>) target_semaphore(%run_scoped3A : memref<!tpu.dma_semaphore, #tpu.memory_space<semaphore_mem>>)
      %dma_wait3A = arith.constant 0 : i32
      %dma_wait3A_74 = tpu.memref_slice %arg5[%add3A_42, %dma_wait3A] : memref<16x10000xf32, #tpu.memory_space<hbm>> -> memref<1x10000xf32, #tpu.memory_space<hbm>>
      %dma_wait3A_75 = tpu.memref_squeeze %dma_wait3A_74 : memref<1x10000xf32, #tpu.memory_space<hbm>> -> memref<10000xf32, #tpu.memory_space<hbm>>
      %dma_wait3A_76 = arith.constant 0 : i32
      %dma_wait3A_77 = tpu.memref_slice %arg5[%add3A_42, %dma_wait3A_76] : memref<16x10000xf32, #tpu.memory_space<hbm>> -> memref<1x10000xf32, #tpu.memory_space<hbm>>
      %dma_wait3A_78 = tpu.memref_squeeze %dma_wait3A_77 : memref<1x10000xf32, #tpu.memory_space<hbm>> -> memref<10000xf32, #tpu.memory_space<hbm>>
      tpu.wait_dma2 semaphore(%run_scoped3A : memref<!tpu.dma_semaphore, #tpu.memory_space<semaphore_mem>>) src(%dma_wait3A_78 : memref<10000xf32, #tpu.memory_space<hbm>>) dst(%arg12 : memref<10000xf32, #tpu.memory_space<vmem>>)
      tpu.yield
    }) : () -> ()
    %mul3A_43 = arith.constant 4 : i32
    %mul3A_44 = arith.muli %select_n3A_9, %mul3A_43 : i32
    %add3A_45 = arith.constant 3 : i32
    %add3A_46 = arith.addi %mul3A_44, %add3A_45 : i32
    "tpu.region"() ({
      %run_scoped3A = tpu.sem_alloc : memref<!tpu.dma_semaphore, #tpu.memory_space<semaphore_mem>>
      %dma_start3A = arith.constant 0 : i32
      %dma_start3A_69 = tpu.memref_slice %arg5[%add3A_46, %dma_start3A] : memref<16x10000xf32, #tpu.memory_space<hbm>> -> memref<1x10000xf32, #tpu.memory_space<hbm>>
      %dma_start3A_70 = tpu.memref_squeeze %dma_start3A_69 : memref<1x10000xf32, #tpu.memory_space<hbm>> -> memref<10000xf32, #tpu.memory_space<hbm>>
      %dma_start3A_71 = arith.constant 0 : i32
      %dma_start3A_72 = tpu.memref_slice %arg5[%add3A_46, %dma_start3A_71] : memref<16x10000xf32, #tpu.memory_space<hbm>> -> memref<1x10000xf32, #tpu.memory_space<hbm>>
      %dma_start3A_73 = tpu.memref_squeeze %dma_start3A_72 : memref<1x10000xf32, #tpu.memory_space<hbm>> -> memref<10000xf32, #tpu.memory_space<hbm>>
      tpu.enqueue_dma source(%dma_start3A_73 : memref<10000xf32, #tpu.memory_space<hbm>>) target(%arg13 : memref<10000xf32, #tpu.memory_space<vmem>>) target_semaphore(%run_scoped3A : memref<!tpu.dma_semaphore, #tpu.memory_space<semaphore_mem>>)
      %dma_wait3A = arith.constant 0 : i32
      %dma_wait3A_74 = tpu.memref_slice %arg5[%add3A_46, %dma_wait3A] : memref<16x10000xf32, #tpu.memory_space<hbm>> -> memref<1x10000xf32, #tpu.memory_space<hbm>>
      %dma_wait3A_75 = tpu.memref_squeeze %dma_wait3A_74 : memref<1x10000xf32, #tpu.memory_space<hbm>> -> memref<10000xf32, #tpu.memory_space<hbm>>
      %dma_wait3A_76 = arith.constant 0 : i32
      %dma_wait3A_77 = tpu.memref_slice %arg5[%add3A_46, %dma_wait3A_76] : memref<16x10000xf32, #tpu.memory_space<hbm>> -> memref<1x10000xf32, #tpu.memory_space<hbm>>
      %dma_wait3A_78 = tpu.memref_squeeze %dma_wait3A_77 : memref<1x10000xf32, #tpu.memory_space<hbm>> -> memref<10000xf32, #tpu.memory_space<hbm>>
      tpu.wait_dma2 semaphore(%run_scoped3A : memref<!tpu.dma_semaphore, #tpu.memory_space<semaphore_mem>>) src(%dma_wait3A_78 : memref<10000xf32, #tpu.memory_space<hbm>>) dst(%arg13 : memref<10000xf32, #tpu.memory_space<vmem>>)
      tpu.yield
    }) : () -> ()
    %parallel_loop3A = arith.constant 0 : i32
    %parallel_loop3A_47 = arith.constant 625 : i32
    %parallel_loop3A_48 = arith.constant 1 : i32
    scf.for %parallel_loop3A_69 = %parallel_loop3A to %parallel_loop3A_47 step %parallel_loop3A_48  : i32 {
      %parallel_loop3A_70 = arith.constant 0.000000e+00 : f32
      %parallel_loop3A_71 = vector.broadcast %parallel_loop3A_70 : f32 to vector<16xf32>
      %parallel_loop3A_72 = arith.constant 16 : i32
      %parallel_loop3A_73 = arith.muli %parallel_loop3A_69, %parallel_loop3A_72 : i32
      %parallel_loop3A_74 = arith.index_cast %parallel_loop3A_73 : i32 to index
      %parallel_loop3A_75 = tpu.vector_load %arg14[%parallel_loop3A_74] {strides = array<i32>} : memref<10000xf32, #tpu.memory_space<vmem>>, vector<16xf32>,
      tpu.vector_store %arg14[%parallel_loop3A_74], %parallel_loop3A_71 {strides = array<i32>} : memref<10000xf32, #tpu.memory_space<vmem>>, vector<16xf32>,
      %parallel_loop3A_76 = arith.constant 16 : i32
      %parallel_loop3A_77 = arith.muli %parallel_loop3A_69, %parallel_loop3A_76 : i32
      %parallel_loop3A_78 = arith.index_cast %parallel_loop3A_77 : i32 to index
      %parallel_loop3A_79 = tpu.vector_load %arg15[%parallel_loop3A_78] {strides = array<i32>} : memref<10000xf32, #tpu.memory_space<vmem>>, vector<16xf32>,
      tpu.vector_store %arg15[%parallel_loop3A_78], %parallel_loop3A_71 {strides = array<i32>} : memref<10000xf32, #tpu.memory_space<vmem>>, vector<16xf32>,
      %parallel_loop3A_80 = arith.constant 16 : i32
      %parallel_loop3A_81 = arith.muli %parallel_loop3A_69, %parallel_loop3A_80 : i32
      %parallel_loop3A_82 = arith.index_cast %parallel_loop3A_81 : i32 to index
      %parallel_loop3A_83 = tpu.vector_load %arg16[%parallel_loop3A_82] {strides = array<i32>} : memref<10000xf32, #tpu.memory_space<vmem>>, vector<16xf32>,
      tpu.vector_store %arg16[%parallel_loop3A_82], %parallel_loop3A_71 {strides = array<i32>} : memref<10000xf32, #tpu.memory_space<vmem>>, vector<16xf32>,
      %parallel_loop3A_84 = arith.constant 16 : i32
      %parallel_loop3A_85 = arith.muli %parallel_loop3A_69, %parallel_loop3A_84 : i32
      %parallel_loop3A_86 = arith.index_cast %parallel_loop3A_85 : i32 to index
      %parallel_loop3A_87 = tpu.vector_load %arg17[%parallel_loop3A_86] {strides = array<i32>} : memref<10000xf32, #tpu.memory_space<vmem>>, vector<16xf32>,
      tpu.vector_store %arg17[%parallel_loop3A_86], %parallel_loop3A_71 {strides = array<i32>} : memref<10000xf32, #tpu.memory_space<vmem>>, vector<16xf32>,
    } {sc.loop_unroll_factor = 5 : i64, sc.parallel_access}
    %scan3A = arith.constant 0 : i32
    %scan3A_49 = arith.constant 4 : i32
    %scan3A_50 = arith.addi %scan3A, %scan3A_49 : i32
    %scan3A_51 = arith.constant 1 : i32
    scf.for %scan3A_69 = %scan3A to %scan3A_50 step %scan3A_51  : i32 {
      %mul3A_70 = arith.constant 40000 : i32
      %mul3A_71 = arith.muli %select_n3A_30, %mul3A_70 : i32
      %mul3A_72 = arith.constant 10000 : i32
      %mul3A_73 = arith.muli %scan3A_69, %mul3A_72 : i32
      %add3A_74 = arith.addi %mul3A_71, %mul3A_73 : i32
      %multiple_of3A = tpu.assume_multiple %add3A_74, 8 : i32
      "tpu.region"() ({
        %run_scoped3A = tpu.sem_alloc : memref<!tpu.dma_semaphore, #tpu.memory_space<semaphore_mem>>
        %dma_start3A = tpu.memref_slice %arg2[%multiple_of3A] : memref<320000xi32, #tpu.memory_space<hbm>> -> memref<10000xi32, #tpu.memory_space<hbm>>
        %dma_start3A_78 = tpu.memref_slice %arg2[%multiple_of3A] : memref<320000xi32, #tpu.memory_space<hbm>> -> memref<10000xi32, #tpu.memory_space<hbm>>
        tpu.enqueue_dma source(%dma_start3A_78 : memref<10000xi32, #tpu.memory_space<hbm>>) target(%arg7 : memref<10000xi32, #tpu.memory_space<vmem>>) target_semaphore(%run_scoped3A : memref<!tpu.dma_semaphore, #tpu.memory_space<semaphore_mem>>)
        %dma_wait3A = tpu.memref_slice %arg2[%multiple_of3A] : memref<320000xi32, #tpu.memory_space<hbm>> -> memref<10000xi32, #tpu.memory_space<hbm>>
        %dma_wait3A_79 = tpu.memref_slice %arg2[%multiple_of3A] : memref<320000xi32, #tpu.memory_space<hbm>> -> memref<10000xi32, #tpu.memory_space<hbm>>
        tpu.wait_dma2 semaphore(%run_scoped3A : memref<!tpu.dma_semaphore, #tpu.memory_space<semaphore_mem>>) src(%dma_wait3A_79 : memref<10000xi32, #tpu.memory_space<hbm>>) dst(%arg7 : memref<10000xi32, #tpu.memory_space<vmem>>)
        tpu.yield
      }) : () -> ()
      "tpu.region"() ({
        %run_scoped3A = tpu.sem_alloc : memref<!tpu.dma_semaphore, #tpu.memory_space<semaphore_mem>>
        %dma_start3A = tpu.memref_slice %arg3[%multiple_of3A] : memref<320000xi32, #tpu.memory_space<hbm>> -> memref<10000xi32, #tpu.memory_space<hbm>>
        %dma_start3A_78 = tpu.memref_slice %arg3[%multiple_of3A] : memref<320000xi32, #tpu.memory_space<hbm>> -> memref<10000xi32, #tpu.memory_space<hbm>>
        tpu.enqueue_dma source(%dma_start3A_78 : memref<10000xi32, #tpu.memory_space<hbm>>) target(%arg8 : memref<10000xi32, #tpu.memory_space<vmem>>) target_semaphore(%run_scoped3A : memref<!tpu.dma_semaphore, #tpu.memory_space<semaphore_mem>>)
        %dma_wait3A = tpu.memref_slice %arg3[%multiple_of3A] : memref<320000xi32, #tpu.memory_space<hbm>> -> memref<10000xi32, #tpu.memory_space<hbm>>
        %dma_wait3A_79 = tpu.memref_slice %arg3[%multiple_of3A] : memref<320000xi32, #tpu.memory_space<hbm>> -> memref<10000xi32, #tpu.memory_space<hbm>>
        tpu.wait_dma2 semaphore(%run_scoped3A : memref<!tpu.dma_semaphore, #tpu.memory_space<semaphore_mem>>) src(%dma_wait3A_79 : memref<10000xi32, #tpu.memory_space<hbm>>) dst(%arg8 : memref<10000xi32, #tpu.memory_space<vmem>>)
        tpu.yield
      }) : () -> ()
      "tpu.region"() ({
        %run_scoped3A = tpu.sem_alloc : memref<!tpu.dma_semaphore, #tpu.memory_space<semaphore_mem>>
        %dma_start3A = tpu.memref_slice %arg4[%multiple_of3A] : memref<320000xf32, #tpu.memory_space<hbm>> -> memref<10000xf32, #tpu.memory_space<hbm>>
        %dma_start3A_78 = tpu.memref_slice %arg4[%multiple_of3A] : memref<320000xf32, #tpu.memory_space<hbm>> -> memref<10000xf32, #tpu.memory_space<hbm>>
        tpu.enqueue_dma source(%dma_start3A_78 : memref<10000xf32, #tpu.memory_space<hbm>>) target(%arg9 : memref<10000xf32, #tpu.memory_space<vmem>>) target_semaphore(%run_scoped3A : memref<!tpu.dma_semaphore, #tpu.memory_space<semaphore_mem>>)
        %dma_wait3A = tpu.memref_slice %arg4[%multiple_of3A] : memref<320000xf32, #tpu.memory_space<hbm>> -> memref<10000xf32, #tpu.memory_space<hbm>>
        %dma_wait3A_79 = tpu.memref_slice %arg4[%multiple_of3A] : memref<320000xf32, #tpu.memory_space<hbm>> -> memref<10000xf32, #tpu.memory_space<hbm>>
        tpu.wait_dma2 semaphore(%run_scoped3A : memref<!tpu.dma_semaphore, #tpu.memory_space<semaphore_mem>>) src(%dma_wait3A_79 : memref<10000xf32, #tpu.memory_space<hbm>>) dst(%arg9 : memref<10000xf32, #tpu.memory_space<vmem>>)
        tpu.yield
      }) : () -> ()
      %parallel_loop3A_75 = arith.constant 0 : i32
      %parallel_loop3A_76 = arith.constant 625 : i32
      %parallel_loop3A_77 = arith.constant 1 : i32
      scf.for %parallel_loop3A_78 = %parallel_loop3A_75 to %parallel_loop3A_76 step %parallel_loop3A_77  : i32 {
        %parallel_loop3A_79 = arith.constant 16 : i32
        %parallel_loop3A_80 = arith.muli %parallel_loop3A_78, %parallel_loop3A_79 : i32
        %parallel_loop3A_81 = arith.index_cast %parallel_loop3A_80 : i32 to index
        %parallel_loop3A_82 = tpu.vector_load %arg7[%parallel_loop3A_81] {strides = array<i32>} : memref<10000xi32, #tpu.memory_space<vmem>>, vector<16xi32>,
        %parallel_loop3A_83 = arith.index_cast %parallel_loop3A_80 : i32 to index
        %parallel_loop3A_84 = tpu.vector_load %arg8[%parallel_loop3A_83] {strides = array<i32>} : memref<10000xi32, #tpu.memory_space<vmem>>, vector<16xi32>,
        %parallel_loop3A_85 = arith.index_cast %parallel_loop3A_80 : i32 to index
        %parallel_loop3A_86 = tpu.vector_load %arg9[%parallel_loop3A_85] {strides = array<i32>} : memref<10000xf32, #tpu.memory_space<vmem>>, vector<16xf32>,
        %parallel_loop3A_87 = tpu.vector_load_idx %arg10[%parallel_loop3A_82] : memref<10000xf32, #tpu.memory_space<vmem>>[vector<16xi32>], vector<16xf32>,
        %parallel_loop3A_88 = arith.mulf %parallel_loop3A_86, %parallel_loop3A_87 : vector<16xf32>
        tpu.vector_store_idx %arg14[%parallel_loop3A_84], %parallel_loop3A_88 {add = true} : memref<10000xf32, #tpu.memory_space<vmem>>[vector<16xi32>], vector<16xf32>,
        %parallel_loop3A_89 = tpu.vector_load_idx %arg11[%parallel_loop3A_82] : memref<10000xf32, #tpu.memory_space<vmem>>[vector<16xi32>], vector<16xf32>,
        %parallel_loop3A_90 = arith.mulf %parallel_loop3A_86, %parallel_loop3A_89 : vector<16xf32>
        tpu.vector_store_idx %arg15[%parallel_loop3A_84], %parallel_loop3A_90 {add = true} : memref<10000xf32, #tpu.memory_space<vmem>>[vector<16xi32>], vector<16xf32>,
        %parallel_loop3A_91 = tpu.vector_load_idx %arg12[%parallel_loop3A_82] : memref<10000xf32, #tpu.memory_space<vmem>>[vector<16xi32>], vector<16xf32>,
        %parallel_loop3A_92 = arith.mulf %parallel_loop3A_86, %parallel_loop3A_91 : vector<16xf32>
        tpu.vector_store_idx %arg16[%parallel_loop3A_84], %parallel_loop3A_92 {add = true} : memref<10000xf32, #tpu.memory_space<vmem>>[vector<16xi32>], vector<16xf32>,
        %parallel_loop3A_93 = tpu.vector_load_idx %arg13[%parallel_loop3A_82] : memref<10000xf32, #tpu.memory_space<vmem>>[vector<16xi32>], vector<16xf32>,
        %parallel_loop3A_94 = arith.mulf %parallel_loop3A_86, %parallel_loop3A_93 : vector<16xf32>
        tpu.vector_store_idx %arg17[%parallel_loop3A_84], %parallel_loop3A_94 {add = true} : memref<10000xf32, #tpu.memory_space<vmem>>[vector<16xi32>], vector<16xf32>,
      } {sc.loop_unroll_factor = 5 : i64, sc.parallel_access}
    }
    %scan3A_52 = arith.constant 4 : i32
    %mul3A_53 = arith.constant 4 : i32
    %mul3A_54 = arith.muli %select_n3A_9, %mul3A_53 : i32
    %add3A_55 = arith.constant 0 : i32
    %add3A_56 = arith.addi %mul3A_54, %add3A_55 : i32
    "tpu.region"() ({
      %run_scoped3A = tpu.sem_alloc : memref<!tpu.dma_semaphore, #tpu.memory_space<semaphore_mem>>
      %dma_start3A = arith.constant 0 : i32
      %dma_start3A_69 = tpu.memref_slice %arg6[%select_n3A_30, %add3A_56, %dma_start3A] : memref<8x16x10000xf32, #tpu.memory_space<hbm>> -> memref<1x1x10000xf32, #tpu.memory_space<hbm>>
      %dma_start3A_70 = tpu.memref_squeeze %dma_start3A_69 : memref<1x1x10000xf32, #tpu.memory_space<hbm>> -> memref<10000xf32, #tpu.memory_space<hbm>>
      %dma_start3A_71 = arith.constant 0 : i32
      %dma_start3A_72 = tpu.memref_slice %arg6[%select_n3A_30, %add3A_56, %dma_start3A_71] : memref<8x16x10000xf32, #tpu.memory_space<hbm>> -> memref<1x1x10000xf32, #tpu.memory_space<hbm>>
      %dma_start3A_73 = tpu.memref_squeeze %dma_start3A_72 : memref<1x1x10000xf32, #tpu.memory_space<hbm>> -> memref<10000xf32, #tpu.memory_space<hbm>>
      tpu.enqueue_dma source(%arg14 : memref<10000xf32, #tpu.memory_space<vmem>>) target(%dma_start3A_73 : memref<10000xf32, #tpu.memory_space<hbm>>) target_semaphore(%run_scoped3A : memref<!tpu.dma_semaphore, #tpu.memory_space<semaphore_mem>>)
      %dma_wait3A = arith.constant 0 : i32
      %dma_wait3A_74 = tpu.memref_slice %arg6[%select_n3A_30, %add3A_56, %dma_wait3A] : memref<8x16x10000xf32, #tpu.memory_space<hbm>> -> memref<1x1x10000xf32, #tpu.memory_space<hbm>>
      %dma_wait3A_75 = tpu.memref_squeeze %dma_wait3A_74 : memref<1x1x10000xf32, #tpu.memory_space<hbm>> -> memref<10000xf32, #tpu.memory_space<hbm>>
      %dma_wait3A_76 = arith.constant 0 : i32
      %dma_wait3A_77 = tpu.memref_slice %arg6[%select_n3A_30, %add3A_56, %dma_wait3A_76] : memref<8x16x10000xf32, #tpu.memory_space<hbm>> -> memref<1x1x10000xf32, #tpu.memory_space<hbm>>
      %dma_wait3A_78 = tpu.memref_squeeze %dma_wait3A_77 : memref<1x1x10000xf32, #tpu.memory_space<hbm>> -> memref<10000xf32, #tpu.memory_space<hbm>>
      tpu.wait_dma2 semaphore(%run_scoped3A : memref<!tpu.dma_semaphore, #tpu.memory_space<semaphore_mem>>) src(%arg14 : memref<10000xf32, #tpu.memory_space<vmem>>) dst(%dma_wait3A_78 : memref<10000xf32, #tpu.memory_space<hbm>>)
      tpu.yield
    }) : () -> ()
    %mul3A_57 = arith.constant 4 : i32
    %mul3A_58 = arith.muli %select_n3A_9, %mul3A_57 : i32
    %add3A_59 = arith.constant 1 : i32
    %add3A_60 = arith.addi %mul3A_58, %add3A_59 : i32
    "tpu.region"() ({
      %run_scoped3A = tpu.sem_alloc : memref<!tpu.dma_semaphore, #tpu.memory_space<semaphore_mem>>
      %dma_start3A = arith.constant 0 : i32
      %dma_start3A_69 = tpu.memref_slice %arg6[%select_n3A_30, %add3A_60, %dma_start3A] : memref<8x16x10000xf32, #tpu.memory_space<hbm>> -> memref<1x1x10000xf32, #tpu.memory_space<hbm>>
      %dma_start3A_70 = tpu.memref_squeeze %dma_start3A_69 : memref<1x1x10000xf32, #tpu.memory_space<hbm>> -> memref<10000xf32, #tpu.memory_space<hbm>>
      %dma_start3A_71 = arith.constant 0 : i32
      %dma_start3A_72 = tpu.memref_slice %arg6[%select_n3A_30, %add3A_60, %dma_start3A_71] : memref<8x16x10000xf32, #tpu.memory_space<hbm>> -> memref<1x1x10000xf32, #tpu.memory_space<hbm>>
      %dma_start3A_73 = tpu.memref_squeeze %dma_start3A_72 : memref<1x1x10000xf32, #tpu.memory_space<hbm>> -> memref<10000xf32, #tpu.memory_space<hbm>>
      tpu.enqueue_dma source(%arg15 : memref<10000xf32, #tpu.memory_space<vmem>>) target(%dma_start3A_73 : memref<10000xf32, #tpu.memory_space<hbm>>) target_semaphore(%run_scoped3A : memref<!tpu.dma_semaphore, #tpu.memory_space<semaphore_mem>>)
      %dma_wait3A = arith.constant 0 : i32
      %dma_wait3A_74 = tpu.memref_slice %arg6[%select_n3A_30, %add3A_60, %dma_wait3A] : memref<8x16x10000xf32, #tpu.memory_space<hbm>> -> memref<1x1x10000xf32, #tpu.memory_space<hbm>>
      %dma_wait3A_75 = tpu.memref_squeeze %dma_wait3A_74 : memref<1x1x10000xf32, #tpu.memory_space<hbm>> -> memref<10000xf32, #tpu.memory_space<hbm>>
      %dma_wait3A_76 = arith.constant 0 : i32
      %dma_wait3A_77 = tpu.memref_slice %arg6[%select_n3A_30, %add3A_60, %dma_wait3A_76] : memref<8x16x10000xf32, #tpu.memory_space<hbm>> -> memref<1x1x10000xf32, #tpu.memory_space<hbm>>
      %dma_wait3A_78 = tpu.memref_squeeze %dma_wait3A_77 : memref<1x1x10000xf32, #tpu.memory_space<hbm>> -> memref<10000xf32, #tpu.memory_space<hbm>>
      tpu.wait_dma2 semaphore(%run_scoped3A : memref<!tpu.dma_semaphore, #tpu.memory_space<semaphore_mem>>) src(%arg15 : memref<10000xf32, #tpu.memory_space<vmem>>) dst(%dma_wait3A_78 : memref<10000xf32, #tpu.memory_space<hbm>>)
      tpu.yield
    }) : () -> ()
    %mul3A_61 = arith.constant 4 : i32
    %mul3A_62 = arith.muli %select_n3A_9, %mul3A_61 : i32
    %add3A_63 = arith.constant 2 : i32
    %add3A_64 = arith.addi %mul3A_62, %add3A_63 : i32
    "tpu.region"() ({
      %run_scoped3A = tpu.sem_alloc : memref<!tpu.dma_semaphore, #tpu.memory_space<semaphore_mem>>
      %dma_start3A = arith.constant 0 : i32
      %dma_start3A_69 = tpu.memref_slice %arg6[%select_n3A_30, %add3A_64, %dma_start3A] : memref<8x16x10000xf32, #tpu.memory_space<hbm>> -> memref<1x1x10000xf32, #tpu.memory_space<hbm>>
      %dma_start3A_70 = tpu.memref_squeeze %dma_start3A_69 : memref<1x1x10000xf32, #tpu.memory_space<hbm>> -> memref<10000xf32, #tpu.memory_space<hbm>>
      %dma_start3A_71 = arith.constant 0 : i32
      %dma_start3A_72 = tpu.memref_slice %arg6[%select_n3A_30, %add3A_64, %dma_start3A_71] : memref<8x16x10000xf32, #tpu.memory_space<hbm>> -> memref<1x1x10000xf32, #tpu.memory_space<hbm>>
      %dma_start3A_73 = tpu.memref_squeeze %dma_start3A_72 : memref<1x1x10000xf32, #tpu.memory_space<hbm>> -> memref<10000xf32, #tpu.memory_space<hbm>>
      tpu.enqueue_dma source(%arg16 : memref<10000xf32, #tpu.memory_space<vmem>>) target(%dma_start3A_73 : memref<10000xf32, #tpu.memory_space<hbm>>) target_semaphore(%run_scoped3A : memref<!tpu.dma_semaphore, #tpu.memory_space<semaphore_mem>>)
      %dma_wait3A = arith.constant 0 : i32
      %dma_wait3A_74 = tpu.memref_slice %arg6[%select_n3A_30, %add3A_64, %dma_wait3A] : memref<8x16x10000xf32, #tpu.memory_space<hbm>> -> memref<1x1x10000xf32, #tpu.memory_space<hbm>>
      %dma_wait3A_75 = tpu.memref_squeeze %dma_wait3A_74 : memref<1x1x10000xf32, #tpu.memory_space<hbm>> -> memref<10000xf32, #tpu.memory_space<hbm>>
      %dma_wait3A_76 = arith.constant 0 : i32
      %dma_wait3A_77 = tpu.memref_slice %arg6[%select_n3A_30, %add3A_64, %dma_wait3A_76] : memref<8x16x10000xf32, #tpu.memory_space<hbm>> -> memref<1x1x10000xf32, #tpu.memory_space<hbm>>
      %dma_wait3A_78 = tpu.memref_squeeze %dma_wait3A_77 : memref<1x1x10000xf32, #tpu.memory_space<hbm>> -> memref<10000xf32, #tpu.memory_space<hbm>>
      tpu.wait_dma2 semaphore(%run_scoped3A : memref<!tpu.dma_semaphore, #tpu.memory_space<semaphore_mem>>) src(%arg16 : memref<10000xf32, #tpu.memory_space<vmem>>) dst(%dma_wait3A_78 : memref<10000xf32, #tpu.memory_space<hbm>>)
      tpu.yield
    }) : () -> ()
    %mul3A_65 = arith.constant 4 : i32
    %mul3A_66 = arith.muli %select_n3A_9, %mul3A_65 : i32
    %add3A_67 = arith.constant 3 : i32
    %add3A_68 = arith.addi %mul3A_66, %add3A_67 : i32
    "tpu.region"() ({
      %run_scoped3A = tpu.sem_alloc : memref<!tpu.dma_semaphore, #tpu.memory_space<semaphore_mem>>
      %dma_start3A = arith.constant 0 : i32
      %dma_start3A_69 = tpu.memref_slice %arg6[%select_n3A_30, %add3A_68, %dma_start3A] : memref<8x16x10000xf32, #tpu.memory_space<hbm>> -> memref<1x1x10000xf32, #tpu.memory_space<hbm>>
      %dma_start3A_70 = tpu.memref_squeeze %dma_start3A_69 : memref<1x1x10000xf32, #tpu.memory_space<hbm>> -> memref<10000xf32, #tpu.memory_space<hbm>>
      %dma_start3A_71 = arith.constant 0 : i32
      %dma_start3A_72 = tpu.memref_slice %arg6[%select_n3A_30, %add3A_68, %dma_start3A_71] : memref<8x16x10000xf32, #tpu.memory_space<hbm>> -> memref<1x1x10000xf32, #tpu.memory_space<hbm>>
      %dma_start3A_73 = tpu.memref_squeeze %dma_start3A_72 : memref<1x1x10000xf32, #tpu.memory_space<hbm>> -> memref<10000xf32, #tpu.memory_space<hbm>>
      tpu.enqueue_dma source(%arg17 : memref<10000xf32, #tpu.memory_space<vmem>>) target(%dma_start3A_73 : memref<10000xf32, #tpu.memory_space<hbm>>) target_semaphore(%run_scoped3A : memref<!tpu.dma_semaphore, #tpu.memory_space<semaphore_mem>>)
      %dma_wait3A = arith.constant 0 : i32
      %dma_wait3A_74 = tpu.memref_slice %arg6[%select_n3A_30, %add3A_68, %dma_wait3A] : memref<8x16x10000xf32, #tpu.memory_space<hbm>> -> memref<1x1x10000xf32, #tpu.memory_space<hbm>>
      %dma_wait3A_75 = tpu.memref_squeeze %dma_wait3A_74 : memref<1x1x10000xf32, #tpu.memory_space<hbm>> -> memref<10000xf32, #tpu.memory_space<hbm>>
      %dma_wait3A_76 = arith.constant 0 : i32
      %dma_wait3A_77 = tpu.memref_slice %arg6[%select_n3A_30, %add3A_68, %dma_wait3A_76] : memref<8x16x10000xf32, #tpu.memory_space<hbm>> -> memref<1x1x10000xf32, #tpu.memory_space<hbm>>
      %dma_wait3A_78 = tpu.memref_squeeze %dma_wait3A_77 : memref<1x1x10000xf32, #tpu.memory_space<hbm>> -> memref<10000xf32, #tpu.memory_space<hbm>>
      tpu.wait_dma2 semaphore(%run_scoped3A : memref<!tpu.dma_semaphore, #tpu.memory_space<semaphore_mem>>) src(%arg17 : memref<10000xf32, #tpu.memory_space<vmem>>) dst(%dma_wait3A_78 : memref<10000xf32, #tpu.memory_space<hbm>>)
      tpu.yield
    }) : () -> ()
    return
  }
}

#map = affine_map<(d0, d1) -> (0)>
#map1 = affine_map<(d0, d1) -> (0, 0)>
module attributes {stable_mosaic.version = 14 : i64} {
  func.func @_sc_deg(%arg0: i32, %arg1: i32, %arg2: memref<320000xi32, #tpu.memory_space<hbm>>, %arg3: memref<320000xf32, #tpu.memory_space<hbm>>, %arg4: memref<32x10000xf32, #tpu.memory_space<hbm>>, %arg5: memref<10000xi32, #tpu.memory_space<vmem>>, %arg6: memref<10000xf32, #tpu.memory_space<vmem>>, %arg7: memref<10000xf32, #tpu.memory_space<vmem>>) attributes {dimension_semantics = [#tpu.dimension_semantics<core_parallel>, #tpu.dimension_semantics<subcore_parallel>], iteration_bounds = array<i64: 2, 16>, scalar_prefetch = 0 : i64, scratch_operands = 3 : i64, tpu.core_type = #tpu.core_type<sc_vector_subcore>, window_params = [{transform_indices = #map}, {transform_indices = #map}, {transform_indices = #map1}]} {
    %mul3A = arith.constant 2 : i32
    %mul3A_0 = arith.muli %arg1, %mul3A : i32
    %add3A = arith.addi %mul3A_0, %arg0 : i32
    %parallel_loop3A = arith.constant 0 : i32
    %parallel_loop3A_1 = arith.constant 625 : i32
    %parallel_loop3A_2 = arith.constant 1 : i32
    scf.for %parallel_loop3A_8 = %parallel_loop3A to %parallel_loop3A_1 step %parallel_loop3A_2  : i32 {
      %parallel_loop3A_9 = arith.constant 0.000000e+00 : f32
      %parallel_loop3A_10 = vector.broadcast %parallel_loop3A_9 : f32 to vector<16xf32>
      %parallel_loop3A_11 = arith.constant 16 : i32
      %parallel_loop3A_12 = arith.muli %parallel_loop3A_8, %parallel_loop3A_11 : i32
      %parallel_loop3A_13 = arith.index_cast %parallel_loop3A_12 : i32 to index
      %parallel_loop3A_14 = tpu.vector_load %arg7[%parallel_loop3A_13] {strides = array<i32>} : memref<10000xf32, #tpu.memory_space<vmem>>, vector<16xf32>,
      tpu.vector_store %arg7[%parallel_loop3A_13], %parallel_loop3A_10 {strides = array<i32>} : memref<10000xf32, #tpu.memory_space<vmem>>, vector<16xf32>,
    } {sc.loop_unroll_factor = 5 : i64, sc.parallel_access}
    %mul3A_3 = arith.constant 10000 : i32
    %mul3A_4 = arith.muli %add3A, %mul3A_3 : i32
    %multiple_of3A = tpu.assume_multiple %mul3A_4, 8 : i32
    "tpu.region"() ({
      %run_scoped3A = tpu.sem_alloc : memref<!tpu.dma_semaphore, #tpu.memory_space<semaphore_mem>>
      %dma_start3A = tpu.memref_slice %arg2[%multiple_of3A] : memref<320000xi32, #tpu.memory_space<hbm>> -> memref<10000xi32, #tpu.memory_space<hbm>>
      %dma_start3A_8 = tpu.memref_slice %arg2[%multiple_of3A] : memref<320000xi32, #tpu.memory_space<hbm>> -> memref<10000xi32, #tpu.memory_space<hbm>>
      tpu.enqueue_dma source(%dma_start3A_8 : memref<10000xi32, #tpu.memory_space<hbm>>) target(%arg5 : memref<10000xi32, #tpu.memory_space<vmem>>) target_semaphore(%run_scoped3A : memref<!tpu.dma_semaphore, #tpu.memory_space<semaphore_mem>>)
      %dma_wait3A = tpu.memref_slice %arg2[%multiple_of3A] : memref<320000xi32, #tpu.memory_space<hbm>> -> memref<10000xi32, #tpu.memory_space<hbm>>
      %dma_wait3A_9 = tpu.memref_slice %arg2[%multiple_of3A] : memref<320000xi32, #tpu.memory_space<hbm>> -> memref<10000xi32, #tpu.memory_space<hbm>>
      tpu.wait_dma2 semaphore(%run_scoped3A : memref<!tpu.dma_semaphore, #tpu.memory_space<semaphore_mem>>) src(%dma_wait3A_9 : memref<10000xi32, #tpu.memory_space<hbm>>) dst(%arg5 : memref<10000xi32, #tpu.memory_space<vmem>>)
      tpu.yield
    }) : () -> ()
    "tpu.region"() ({
      %run_scoped3A = tpu.sem_alloc : memref<!tpu.dma_semaphore, #tpu.memory_space<semaphore_mem>>
      %dma_start3A = tpu.memref_slice %arg3[%multiple_of3A] : memref<320000xf32, #tpu.memory_space<hbm>> -> memref<10000xf32, #tpu.memory_space<hbm>>
      %dma_start3A_8 = tpu.memref_slice %arg3[%multiple_of3A] : memref<320000xf32, #tpu.memory_space<hbm>> -> memref<10000xf32, #tpu.memory_space<hbm>>
      tpu.enqueue_dma source(%dma_start3A_8 : memref<10000xf32, #tpu.memory_space<hbm>>) target(%arg6 : memref<10000xf32, #tpu.memory_space<vmem>>) target_semaphore(%run_scoped3A : memref<!tpu.dma_semaphore, #tpu.memory_space<semaphore_mem>>)
      %dma_wait3A = tpu.memref_slice %arg3[%multiple_of3A] : memref<320000xf32, #tpu.memory_space<hbm>> -> memref<10000xf32, #tpu.memory_space<hbm>>
      %dma_wait3A_9 = tpu.memref_slice %arg3[%multiple_of3A] : memref<320000xf32, #tpu.memory_space<hbm>> -> memref<10000xf32, #tpu.memory_space<hbm>>
      tpu.wait_dma2 semaphore(%run_scoped3A : memref<!tpu.dma_semaphore, #tpu.memory_space<semaphore_mem>>) src(%dma_wait3A_9 : memref<10000xf32, #tpu.memory_space<hbm>>) dst(%arg6 : memref<10000xf32, #tpu.memory_space<vmem>>)
      tpu.yield
    }) : () -> ()
    %parallel_loop3A_5 = arith.constant 0 : i32
    %parallel_loop3A_6 = arith.constant 625 : i32
    %parallel_loop3A_7 = arith.constant 1 : i32
    scf.for %parallel_loop3A_8 = %parallel_loop3A_5 to %parallel_loop3A_6 step %parallel_loop3A_7  : i32 {
      %parallel_loop3A_9 = arith.constant 16 : i32
      %parallel_loop3A_10 = arith.muli %parallel_loop3A_8, %parallel_loop3A_9 : i32
      %parallel_loop3A_11 = arith.index_cast %parallel_loop3A_10 : i32 to index
      %parallel_loop3A_12 = tpu.vector_load %arg5[%parallel_loop3A_11] {strides = array<i32>} : memref<10000xi32, #tpu.memory_space<vmem>>, vector<16xi32>,
      %parallel_loop3A_13 = arith.index_cast %parallel_loop3A_10 : i32 to index
      %parallel_loop3A_14 = tpu.vector_load %arg6[%parallel_loop3A_13] {strides = array<i32>} : memref<10000xf32, #tpu.memory_space<vmem>>, vector<16xf32>,
      tpu.vector_store_idx %arg7[%parallel_loop3A_12], %parallel_loop3A_14 {add = true} : memref<10000xf32, #tpu.memory_space<vmem>>[vector<16xi32>], vector<16xf32>,
    } {sc.loop_unroll_factor = 5 : i64, sc.parallel_access}
    "tpu.region"() ({
      %run_scoped3A = tpu.sem_alloc : memref<!tpu.dma_semaphore, #tpu.memory_space<semaphore_mem>>
      %dma_start3A = arith.constant 0 : i32
      %dma_start3A_8 = tpu.memref_slice %arg4[%add3A, %dma_start3A] : memref<32x10000xf32, #tpu.memory_space<hbm>> -> memref<1x10000xf32, #tpu.memory_space<hbm>>
      %dma_start3A_9 = tpu.memref_squeeze %dma_start3A_8 : memref<1x10000xf32, #tpu.memory_space<hbm>> -> memref<10000xf32, #tpu.memory_space<hbm>>
      %dma_start3A_10 = arith.constant 0 : i32
      %dma_start3A_11 = tpu.memref_slice %arg4[%add3A, %dma_start3A_10] : memref<32x10000xf32, #tpu.memory_space<hbm>> -> memref<1x10000xf32, #tpu.memory_space<hbm>>
      %dma_start3A_12 = tpu.memref_squeeze %dma_start3A_11 : memref<1x10000xf32, #tpu.memory_space<hbm>> -> memref<10000xf32, #tpu.memory_space<hbm>>
      tpu.enqueue_dma source(%arg7 : memref<10000xf32, #tpu.memory_space<vmem>>) target(%dma_start3A_12 : memref<10000xf32, #tpu.memory_space<hbm>>) target_semaphore(%run_scoped3A : memref<!tpu.dma_semaphore, #tpu.memory_space<semaphore_mem>>)
      %dma_wait3A = arith.constant 0 : i32
      %dma_wait3A_13 = tpu.memref_slice %arg4[%add3A, %dma_wait3A] : memref<32x10000xf32, #tpu.memory_space<hbm>> -> memref<1x10000xf32, #tpu.memory_space<hbm>>
      %dma_wait3A_14 = tpu.memref_squeeze %dma_wait3A_13 : memref<1x10000xf32, #tpu.memory_space<hbm>> -> memref<10000xf32, #tpu.memory_space<hbm>>
      %dma_wait3A_15 = arith.constant 0 : i32
      %dma_wait3A_16 = tpu.memref_slice %arg4[%add3A, %dma_wait3A_15] : memref<32x10000xf32, #tpu.memory_space<hbm>> -> memref<1x10000xf32, #tpu.memory_space<hbm>>
      %dma_wait3A_17 = tpu.memref_squeeze %dma_wait3A_16 : memref<1x10000xf32, #tpu.memory_space<hbm>> -> memref<10000xf32, #tpu.memory_space<hbm>>
      tpu.wait_dma2 semaphore(%run_scoped3A : memref<!tpu.dma_semaphore, #tpu.memory_space<semaphore_mem>>) src(%arg7 : memref<10000xf32, #tpu.memory_space<vmem>>) dst(%dma_wait3A_17 : memref<10000xf32, #tpu.memory_space<hbm>>)
      tpu.yield
    }) : () -> ()
    return
  }
}

#map = affine_map<(d0, d1) -> (0)>
#map1 = affine_map<(d0, d1) -> (0, 0)>
module attributes {stable_mosaic.version = 14 : i64} {
  func.func @_sc_norm(%arg0: i32, %arg1: i32, %arg2: memref<320000xi32, #tpu.memory_space<hbm>>, %arg3: memref<320000xi32, #tpu.memory_space<hbm>>, %arg4: memref<320000xf32, #tpu.memory_space<hbm>>, %arg5: memref<1x10000xf32, #tpu.memory_space<hbm>>, %arg6: memref<320000xf32, #tpu.memory_space<hbm>>, %arg7: memref<10000xi32, #tpu.memory_space<vmem>>, %arg8: memref<10000xi32, #tpu.memory_space<vmem>>, %arg9: memref<10000xf32, #tpu.memory_space<vmem>>, %arg10: memref<10000xf32, #tpu.memory_space<vmem>>, %arg11: memref<10000xf32, #tpu.memory_space<vmem>>) attributes {dimension_semantics = [#tpu.dimension_semantics<core_parallel>, #tpu.dimension_semantics<subcore_parallel>], iteration_bounds = array<i64: 2, 16>, scalar_prefetch = 0 : i64, scratch_operands = 5 : i64, tpu.core_type = #tpu.core_type<sc_vector_subcore>, window_params = [{transform_indices = #map}, {transform_indices = #map}, {transform_indices = #map}, {transform_indices = #map1}, {transform_indices = #map}]} {
    %mul3A = arith.constant 2 : i32
    %mul3A_0 = arith.muli %arg1, %mul3A : i32
    %add3A = arith.addi %mul3A_0, %arg0 : i32
    %run_scoped3A = arith.constant 0 : i32
    "tpu.region"() ({
      %run_scoped3A_5 = tpu.sem_alloc : memref<!tpu.dma_semaphore, #tpu.memory_space<semaphore_mem>>
      %dma_start3A = arith.constant 0 : i32
      %dma_start3A_6 = tpu.memref_slice %arg5[%run_scoped3A, %dma_start3A] : memref<1x10000xf32, #tpu.memory_space<hbm>> -> memref<1x10000xf32, #tpu.memory_space<hbm>>
      %dma_start3A_7 = tpu.memref_squeeze %dma_start3A_6 : memref<1x10000xf32, #tpu.memory_space<hbm>> -> memref<10000xf32, #tpu.memory_space<hbm>>
      %dma_start3A_8 = arith.constant 0 : i32
      %dma_start3A_9 = tpu.memref_slice %arg5[%run_scoped3A, %dma_start3A_8] : memref<1x10000xf32, #tpu.memory_space<hbm>> -> memref<1x10000xf32, #tpu.memory_space<hbm>>
      %dma_start3A_10 = tpu.memref_squeeze %dma_start3A_9 : memref<1x10000xf32, #tpu.memory_space<hbm>> -> memref<10000xf32, #tpu.memory_space<hbm>>
      tpu.enqueue_dma source(%dma_start3A_10 : memref<10000xf32, #tpu.memory_space<hbm>>) target(%arg11 : memref<10000xf32, #tpu.memory_space<vmem>>) target_semaphore(%run_scoped3A_5 : memref<!tpu.dma_semaphore, #tpu.memory_space<semaphore_mem>>)
      %dma_wait3A = arith.constant 0 : i32
      %dma_wait3A_11 = tpu.memref_slice %arg5[%run_scoped3A, %dma_wait3A] : memref<1x10000xf32, #tpu.memory_space<hbm>> -> memref<1x10000xf32, #tpu.memory_space<hbm>>
      %dma_wait3A_12 = tpu.memref_squeeze %dma_wait3A_11 : memref<1x10000xf32, #tpu.memory_space<hbm>> -> memref<10000xf32, #tpu.memory_space<hbm>>
      %dma_wait3A_13 = arith.constant 0 : i32
      %dma_wait3A_14 = tpu.memref_slice %arg5[%run_scoped3A, %dma_wait3A_13] : memref<1x10000xf32, #tpu.memory_space<hbm>> -> memref<1x10000xf32, #tpu.memory_space<hbm>>
      %dma_wait3A_15 = tpu.memref_squeeze %dma_wait3A_14 : memref<1x10000xf32, #tpu.memory_space<hbm>> -> memref<10000xf32, #tpu.memory_space<hbm>>
      tpu.wait_dma2 semaphore(%run_scoped3A_5 : memref<!tpu.dma_semaphore, #tpu.memory_space<semaphore_mem>>) src(%dma_wait3A_15 : memref<10000xf32, #tpu.memory_space<hbm>>) dst(%arg11 : memref<10000xf32, #tpu.memory_space<vmem>>)
      tpu.yield
    }) : () -> ()
    %mul3A_1 = arith.constant 10000 : i32
    %mul3A_2 = arith.muli %add3A, %mul3A_1 : i32
    %multiple_of3A = tpu.assume_multiple %mul3A_2, 8 : i32
    "tpu.region"() ({
      %run_scoped3A_5 = tpu.sem_alloc : memref<!tpu.dma_semaphore, #tpu.memory_space<semaphore_mem>>
      %dma_start3A = tpu.memref_slice %arg2[%multiple_of3A] : memref<320000xi32, #tpu.memory_space<hbm>> -> memref<10000xi32, #tpu.memory_space<hbm>>
      %dma_start3A_6 = tpu.memref_slice %arg2[%multiple_of3A] : memref<320000xi32, #tpu.memory_space<hbm>> -> memref<10000xi32, #tpu.memory_space<hbm>>
      tpu.enqueue_dma source(%dma_start3A_6 : memref<10000xi32, #tpu.memory_space<hbm>>) target(%arg7 : memref<10000xi32, #tpu.memory_space<vmem>>) target_semaphore(%run_scoped3A_5 : memref<!tpu.dma_semaphore, #tpu.memory_space<semaphore_mem>>)
      %dma_wait3A = tpu.memref_slice %arg2[%multiple_of3A] : memref<320000xi32, #tpu.memory_space<hbm>> -> memref<10000xi32, #tpu.memory_space<hbm>>
      %dma_wait3A_7 = tpu.memref_slice %arg2[%multiple_of3A] : memref<320000xi32, #tpu.memory_space<hbm>> -> memref<10000xi32, #tpu.memory_space<hbm>>
      tpu.wait_dma2 semaphore(%run_scoped3A_5 : memref<!tpu.dma_semaphore, #tpu.memory_space<semaphore_mem>>) src(%dma_wait3A_7 : memref<10000xi32, #tpu.memory_space<hbm>>) dst(%arg7 : memref<10000xi32, #tpu.memory_space<vmem>>)
      tpu.yield
    }) : () -> ()
    "tpu.region"() ({
      %run_scoped3A_5 = tpu.sem_alloc : memref<!tpu.dma_semaphore, #tpu.memory_space<semaphore_mem>>
      %dma_start3A = tpu.memref_slice %arg3[%multiple_of3A] : memref<320000xi32, #tpu.memory_space<hbm>> -> memref<10000xi32, #tpu.memory_space<hbm>>
      %dma_start3A_6 = tpu.memref_slice %arg3[%multiple_of3A] : memref<320000xi32, #tpu.memory_space<hbm>> -> memref<10000xi32, #tpu.memory_space<hbm>>
      tpu.enqueue_dma source(%dma_start3A_6 : memref<10000xi32, #tpu.memory_space<hbm>>) target(%arg8 : memref<10000xi32, #tpu.memory_space<vmem>>) target_semaphore(%run_scoped3A_5 : memref<!tpu.dma_semaphore, #tpu.memory_space<semaphore_mem>>)
      %dma_wait3A = tpu.memref_slice %arg3[%multiple_of3A] : memref<320000xi32, #tpu.memory_space<hbm>> -> memref<10000xi32, #tpu.memory_space<hbm>>
      %dma_wait3A_7 = tpu.memref_slice %arg3[%multiple_of3A] : memref<320000xi32, #tpu.memory_space<hbm>> -> memref<10000xi32, #tpu.memory_space<hbm>>
      tpu.wait_dma2 semaphore(%run_scoped3A_5 : memref<!tpu.dma_semaphore, #tpu.memory_space<semaphore_mem>>) src(%dma_wait3A_7 : memref<10000xi32, #tpu.memory_space<hbm>>) dst(%arg8 : memref<10000xi32, #tpu.memory_space<vmem>>)
      tpu.yield
    }) : () -> ()
    "tpu.region"() ({
      %run_scoped3A_5 = tpu.sem_alloc : memref<!tpu.dma_semaphore, #tpu.memory_space<semaphore_mem>>
      %dma_start3A = tpu.memref_slice %arg4[%multiple_of3A] : memref<320000xf32, #tpu.memory_space<hbm>> -> memref<10000xf32, #tpu.memory_space<hbm>>
      %dma_start3A_6 = tpu.memref_slice %arg4[%multiple_of3A] : memref<320000xf32, #tpu.memory_space<hbm>> -> memref<10000xf32, #tpu.memory_space<hbm>>
      tpu.enqueue_dma source(%dma_start3A_6 : memref<10000xf32, #tpu.memory_space<hbm>>) target(%arg9 : memref<10000xf32, #tpu.memory_space<vmem>>) target_semaphore(%run_scoped3A_5 : memref<!tpu.dma_semaphore, #tpu.memory_space<semaphore_mem>>)
      %dma_wait3A = tpu.memref_slice %arg4[%multiple_of3A] : memref<320000xf32, #tpu.memory_space<hbm>> -> memref<10000xf32, #tpu.memory_space<hbm>>
      %dma_wait3A_7 = tpu.memref_slice %arg4[%multiple_of3A] : memref<320000xf32, #tpu.memory_space<hbm>> -> memref<10000xf32, #tpu.memory_space<hbm>>
      tpu.wait_dma2 semaphore(%run_scoped3A_5 : memref<!tpu.dma_semaphore, #tpu.memory_space<semaphore_mem>>) src(%dma_wait3A_7 : memref<10000xf32, #tpu.memory_space<hbm>>) dst(%arg9 : memref<10000xf32, #tpu.memory_space<vmem>>)
      tpu.yield
    }) : () -> ()
    %parallel_loop3A = arith.constant 0 : i32
    %parallel_loop3A_3 = arith.constant 625 : i32
    %parallel_loop3A_4 = arith.constant 1 : i32
    scf.for %parallel_loop3A_5 = %parallel_loop3A to %parallel_loop3A_3 step %parallel_loop3A_4  : i32 {
      %parallel_loop3A_6 = arith.constant 16 : i32
      %parallel_loop3A_7 = arith.muli %parallel_loop3A_5, %parallel_loop3A_6 : i32
      %parallel_loop3A_8 = arith.index_cast %parallel_loop3A_7 : i32 to index
      %parallel_loop3A_9 = tpu.vector_load %arg7[%parallel_loop3A_8] {strides = array<i32>} : memref<10000xi32, #tpu.memory_space<vmem>>, vector<16xi32>,
      %parallel_loop3A_10 = tpu.vector_load_idx %arg11[%parallel_loop3A_9] : memref<10000xf32, #tpu.memory_space<vmem>>[vector<16xi32>], vector<16xf32>,
      %parallel_loop3A_11 = arith.index_cast %parallel_loop3A_7 : i32 to index
      %parallel_loop3A_12 = tpu.vector_load %arg8[%parallel_loop3A_11] {strides = array<i32>} : memref<10000xi32, #tpu.memory_space<vmem>>, vector<16xi32>,
      %parallel_loop3A_13 = tpu.vector_load_idx %arg11[%parallel_loop3A_12] : memref<10000xf32, #tpu.memory_space<vmem>>[vector<16xi32>], vector<16xf32>,
      %parallel_loop3A_14 = arith.index_cast %parallel_loop3A_7 : i32 to index
      %parallel_loop3A_15 = tpu.vector_load %arg9[%parallel_loop3A_14] {strides = array<i32>} : memref<10000xf32, #tpu.memory_space<vmem>>, vector<16xf32>,
      %parallel_loop3A_16 = arith.mulf %parallel_loop3A_10, %parallel_loop3A_15 : vector<16xf32>
      %parallel_loop3A_17 = arith.mulf %parallel_loop3A_16, %parallel_loop3A_13 : vector<16xf32>
      %parallel_loop3A_18 = arith.index_cast %parallel_loop3A_7 : i32 to index
      %parallel_loop3A_19 = tpu.vector_load %arg10[%parallel_loop3A_18] {strides = array<i32>} : memref<10000xf32, #tpu.memory_space<vmem>>, vector<16xf32>,
      tpu.vector_store %arg10[%parallel_loop3A_18], %parallel_loop3A_17 {strides = array<i32>} : memref<10000xf32, #tpu.memory_space<vmem>>, vector<16xf32>,
    } {sc.loop_unroll_factor = 5 : i64, sc.parallel_access}
    "tpu.region"() ({
      %run_scoped3A_5 = tpu.sem_alloc : memref<!tpu.dma_semaphore, #tpu.memory_space<semaphore_mem>>
      %dma_start3A = tpu.memref_slice %arg6[%multiple_of3A] : memref<320000xf32, #tpu.memory_space<hbm>> -> memref<10000xf32, #tpu.memory_space<hbm>>
      %dma_start3A_6 = tpu.memref_slice %arg6[%multiple_of3A] : memref<320000xf32, #tpu.memory_space<hbm>> -> memref<10000xf32, #tpu.memory_space<hbm>>
      tpu.enqueue_dma source(%arg10 : memref<10000xf32, #tpu.memory_space<vmem>>) target(%dma_start3A_6 : memref<10000xf32, #tpu.memory_space<hbm>>) target_semaphore(%run_scoped3A_5 : memref<!tpu.dma_semaphore, #tpu.memory_space<semaphore_mem>>)
      %dma_wait3A = tpu.memref_slice %arg6[%multiple_of3A] : memref<320000xf32, #tpu.memory_space<hbm>> -> memref<10000xf32, #tpu.memory_space<hbm>>
      %dma_wait3A_7 = tpu.memref_slice %arg6[%multiple_of3A] : memref<320000xf32, #tpu.memory_space<hbm>> -> memref<10000xf32, #tpu.memory_space<hbm>>
      tpu.wait_dma2 semaphore(%run_scoped3A_5 : memref<!tpu.dma_semaphore, #tpu.memory_space<semaphore_mem>>) src(%arg10 : memref<10000xf32, #tpu.memory_space<vmem>>) dst(%dma_wait3A_7 : memref<10000xf32, #tpu.memory_space<hbm>>)
      tpu.yield
    }) : () -> ()
    return
  }
}

module attributes {stable_mosaic.version = 14 : i64} {
  func.func @body(%arg0: memref<32x10000xf32, #tpu.memory_space<vmem>>, %arg1: memref<10000x128xf32, #tpu.memory_space<vmem>>, %arg2: memref<128x32xf32, #tpu.memory_space<vmem>>, %arg3: memref<1x10000xf32, #tpu.memory_space<vmem>>, %arg4: memref<32x10000xf32, #tpu.memory_space<vmem>>) attributes {dimension_semantics = [], scalar_prefetch = 0 : i64, scratch_operands = 0 : i64, tpu.core_type = #tpu.core_type<tc>} {
    %get3A = arith.constant 0 : index
    %get3A_0 = arith.constant 0 : index
    %get3A_1 = vector.load %arg0[%get3A, %get3A_0] : memref<32x10000xf32, #tpu.memory_space<vmem>>, vector<32x10000xf32>
    %reduce_sum3A = arith.constant dense<0.000000e+00> : vector<10000xf32>
    %reduce_sum3A_2 = vector.multi_reduction <add>, %get3A_1, %reduce_sum3A [0] : vector<32x10000xf32> to vector<10000xf32>
    %broadcast_in_dim3A = vector.shape_cast %reduce_sum3A_2 : vector<10000xf32> to vector<1x10000xf32>
    %add3A = arith.constant 1.000000e+00 : f32
    %add3A_3 = vector.broadcast %add3A : f32 to vector<1x10000xf32>
    %add3A_4 = arith.addf %broadcast_in_dim3A, %add3A_3 : vector<1x10000xf32>
    %gt3A = arith.constant 0.000000e+00 : f32
    %gt3A_5 = vector.broadcast %gt3A : f32 to vector<1x10000xf32>
    %gt3A_6 = arith.cmpf ogt, %add3A_4, %gt3A_5 : vector<1x10000xf32>
    %jit3A = arith.constant 1.000000e+00 : f32
    %broadcast_in_dim3A_7 = vector.broadcast %jit3A : f32 to vector<1x10000xf32>
    %select_n3A = arith.select %gt3A_6, %add3A_4, %broadcast_in_dim3A_7 : vector<1x10000xi1>, vector<1x10000xf32>
    %gt3A_8 = arith.constant 0.000000e+00 : f32
    %gt3A_9 = vector.broadcast %gt3A_8 : f32 to vector<1x10000xf32>
    %gt3A_10 = arith.cmpf ogt, %add3A_4, %gt3A_9 : vector<1x10000xf32>
    %sqrt3A = math.sqrt %select_n3A : vector<1x10000xf32>
    %div3A = arith.constant 1.000000e+00 : f32
    %div3A_11 = vector.broadcast %div3A : f32 to vector<1x10000xf32>
    %div3A_12 = arith.divf %div3A_11, %sqrt3A : vector<1x10000xf32>
    %jit3A_13 = arith.constant 0.000000e+00 : f32
    %broadcast_in_dim3A_14 = vector.broadcast %jit3A_13 : f32 to vector<1x10000xf32>
    %select_n3A_15 = arith.select %gt3A_10, %div3A_12, %broadcast_in_dim3A_14 : vector<1x10000xi1>, vector<1x10000xf32>
    %swap3A = arith.constant 0 : index
    %swap3A_16 = arith.constant 0 : index
    %swap3A_17 = vector.load %arg3[%swap3A, %swap3A_16] : memref<1x10000xf32, #tpu.memory_space<vmem>>, vector<1x10000xf32>
    tpu.vector_store %arg3[%swap3A, %swap3A_16], %select_n3A_15 {strides = array<i32>} : memref<1x10000xf32, #tpu.memory_space<vmem>>, vector<1x10000xf32>,
    %get3A_18 = arith.constant 0 : index
    %get3A_19 = arith.constant 0 : index
    %get3A_20 = vector.load %arg2[%get3A_18, %get3A_19] : memref<128x32xf32, #tpu.memory_space<vmem>>, vector<128x32xf32>
    %get3A_21 = arith.constant 0 : index
    %get3A_22 = arith.constant 0 : index
    %get3A_23 = vector.load %arg1[%get3A_21, %get3A_22] : memref<10000x128xf32, #tpu.memory_space<vmem>>, vector<10000x128xf32>
    %dot_general3A = arith.constant dense<0.000000e+00> : vector<32x10000xf32>
    %dot_general3A_24 = tpu.matmul %get3A_20, %get3A_23, %dot_general3A {dimension_numbers = #tpu.dot_dimension_numbers<[0], [1], [1], [0], [0, 1, 1, 0], [], []>, transpose_lhs_hint = false} : vector<128x32xf32>, vector<10000x128xf32>, vector<32x10000xf32> -> vector<32x10000xf32>
    %swap3A_25 = arith.constant 0 : index
    %swap3A_26 = arith.constant 0 : index
    %swap3A_27 = vector.load %arg4[%swap3A_25, %swap3A_26] : memref<32x10000xf32, #tpu.memory_space<vmem>>, vector<32x10000xf32>
    tpu.vector_store %arg4[%swap3A_25, %swap3A_26], %dot_general3A_24 {strides = array<i32>} : memref<32x10000xf32, #tpu.memory_space<vmem>>, vector<32x10000xf32>,
    return
  }
}

module attributes {stable_mosaic.version = 14 : i64} {
  func.func @body(%arg0: memref<4x32x10000xf32, #tpu.memory_space<vmem>>, %arg1: memref<32x10000xf32, #tpu.memory_space<vmem>>, %arg2: memref<1x10000xf32, #tpu.memory_space<vmem>>, %arg3: memref<32x1xf32, #tpu.memory_space<vmem>>, %arg4: memref<32x16xf32, #tpu.memory_space<vmem>>, %arg5: memref<16x10000xf32, #tpu.memory_space<vmem>>) attributes {dimension_semantics = [], scalar_prefetch = 0 : i64, scratch_operands = 0 : i64, tpu.core_type = #tpu.core_type<tc>} {
    %get3A = arith.constant 0 : index
    %get3A_0 = arith.constant 0 : index
    %get3A_1 = vector.load %arg2[%get3A, %get3A_0] : memref<1x10000xf32, #tpu.memory_space<vmem>>, vector<1x10000xf32>
    %get3A_2 = arith.constant 0 : index
    %get3A_3 = arith.constant 0 : index
    %get3A_4 = arith.constant 0 : index
    %get3A_5 = vector.load %arg0[%get3A_2, %get3A_3, %get3A_4] : memref<4x32x10000xf32, #tpu.memory_space<vmem>>, vector<1x32x10000xf32>
    %get3A_6 = vector.shape_cast %get3A_5 : vector<1x32x10000xf32> to vector<32x10000xf32>
    %get3A_7 = arith.constant 1 : index
    %get3A_8 = arith.constant 0 : index
    %get3A_9 = arith.constant 0 : index
    %get3A_10 = vector.load %arg0[%get3A_7, %get3A_8, %get3A_9] : memref<4x32x10000xf32, #tpu.memory_space<vmem>>, vector<1x32x10000xf32>
    %get3A_11 = vector.shape_cast %get3A_10 : vector<1x32x10000xf32> to vector<32x10000xf32>
    %add3A = arith.addf %get3A_6, %get3A_11 : vector<32x10000xf32>
    %get3A_12 = arith.constant 2 : index
    %get3A_13 = arith.constant 0 : index
    %get3A_14 = arith.constant 0 : index
    %get3A_15 = vector.load %arg0[%get3A_12, %get3A_13, %get3A_14] : memref<4x32x10000xf32, #tpu.memory_space<vmem>>, vector<1x32x10000xf32>
    %get3A_16 = vector.shape_cast %get3A_15 : vector<1x32x10000xf32> to vector<32x10000xf32>
    %add3A_17 = arith.addf %add3A, %get3A_16 : vector<32x10000xf32>
    %get3A_18 = arith.constant 3 : index
    %get3A_19 = arith.constant 0 : index
    %get3A_20 = arith.constant 0 : index
    %get3A_21 = vector.load %arg0[%get3A_18, %get3A_19, %get3A_20] : memref<4x32x10000xf32, #tpu.memory_space<vmem>>, vector<1x32x10000xf32>
    %get3A_22 = vector.shape_cast %get3A_21 : vector<1x32x10000xf32> to vector<32x10000xf32>
    %add3A_23 = arith.addf %add3A_17, %get3A_22 : vector<32x10000xf32>
    %mul3A = arith.mulf %get3A_1, %get3A_1 : vector<1x10000xf32>
    %get3A_24 = arith.constant 0 : index
    %get3A_25 = arith.constant 0 : index
    %get3A_26 = vector.load %arg1[%get3A_24, %get3A_25] : memref<32x10000xf32, #tpu.memory_space<vmem>>, vector<32x10000xf32>
    %mul3A_27 = vector.broadcast %mul3A : vector<1x10000xf32> to vector<32x10000xf32>
    %mul3A_28 = arith.mulf %mul3A_27, %get3A_26 : vector<32x10000xf32>
    %add3A_29 = arith.addf %add3A_23, %mul3A_28 : vector<32x10000xf32>
    %get3A_30 = arith.constant 0 : index
    %get3A_31 = arith.constant 0 : index
    %get3A_32 = vector.load %arg3[%get3A_30, %get3A_31] : memref<32x1xf32, #tpu.memory_space<vmem>>, vector<32x1xf32>
    %add3A_33 = vector.broadcast %get3A_32 : vector<32x1xf32> to vector<32x10000xf32>
    %add3A_34 = arith.addf %add3A_29, %add3A_33 : vector<32x10000xf32>
    %max3A = arith.constant 0.000000e+00 : f32
    %max3A_35 = vector.broadcast %max3A : f32 to vector<32x10000xf32>
    %max3A_36 = arith.maximumf %add3A_34, %max3A_35 : vector<32x10000xf32>
    %get3A_37 = arith.constant 0 : index
    %get3A_38 = arith.constant 0 : index
    %get3A_39 = vector.load %arg4[%get3A_37, %get3A_38] : memref<32x16xf32, #tpu.memory_space<vmem>>, vector<32x16xf32>
    %dot_general3A = arith.constant dense<0.000000e+00> : vector<16x10000xf32>
    %dot_general3A_40 = tpu.matmul %get3A_39, %max3A_36, %dot_general3A {dimension_numbers = #tpu.dot_dimension_numbers<[0], [0], [1], [1], [0, 1, 1, 1], [], []>, transpose_lhs_hint = false} : vector<32x16xf32>, vector<32x10000xf32>, vector<16x10000xf32> -> vector<16x10000xf32>
    %swap3A = arith.constant 0 : index
    %swap3A_41 = arith.constant 0 : index
    %swap3A_42 = vector.load %arg5[%swap3A, %swap3A_41] : memref<16x10000xf32, #tpu.memory_space<vmem>>, vector<16x10000xf32>
    tpu.vector_store %arg5[%swap3A, %swap3A_41], %dot_general3A_40 {strides = array<i32>} : memref<16x10000xf32, #tpu.memory_space<vmem>>, vector<16x10000xf32>,
    return
  }
}

module attributes {stable_mosaic.version = 14 : i64} {
  func.func @body(%arg0: memref<8x16x10000xf32, #tpu.memory_space<vmem>>, %arg1: memref<16x10000xf32, #tpu.memory_space<vmem>>, %arg2: memref<1x10000xf32, #tpu.memory_space<vmem>>, %arg3: memref<16x1xf32, #tpu.memory_space<vmem>>, %arg4: memref<10000x16xf32, #tpu.memory_space<vmem>>) attributes {dimension_semantics = [], scalar_prefetch = 0 : i64, scratch_operands = 0 : i64, tpu.core_type = #tpu.core_type<tc>} {
    %get3A = arith.constant 0 : index
    %get3A_0 = arith.constant 0 : index
    %get3A_1 = vector.load %arg2[%get3A, %get3A_0] : memref<1x10000xf32, #tpu.memory_space<vmem>>, vector<1x10000xf32>
    %get3A_2 = arith.constant 0 : index
    %get3A_3 = arith.constant 0 : index
    %get3A_4 = arith.constant 0 : index
    %get3A_5 = vector.load %arg0[%get3A_2, %get3A_3, %get3A_4] : memref<8x16x10000xf32, #tpu.memory_space<vmem>>, vector<1x16x10000xf32>
    %get3A_6 = vector.shape_cast %get3A_5 : vector<1x16x10000xf32> to vector<16x10000xf32>
    %get3A_7 = arith.constant 1 : index
    %get3A_8 = arith.constant 0 : index
    %get3A_9 = arith.constant 0 : index
    %get3A_10 = vector.load %arg0[%get3A_7, %get3A_8, %get3A_9] : memref<8x16x10000xf32, #tpu.memory_space<vmem>>, vector<1x16x10000xf32>
    %get3A_11 = vector.shape_cast %get3A_10 : vector<1x16x10000xf32> to vector<16x10000xf32>
    %add3A = arith.addf %get3A_6, %get3A_11 : vector<16x10000xf32>
    %get3A_12 = arith.constant 2 : index
    %get3A_13 = arith.constant 0 : index
    %get3A_14 = arith.constant 0 : index
    %get3A_15 = vector.load %arg0[%get3A_12, %get3A_13, %get3A_14] : memref<8x16x10000xf32, #tpu.memory_space<vmem>>, vector<1x16x10000xf32>
    %get3A_16 = vector.shape_cast %get3A_15 : vector<1x16x10000xf32> to vector<16x10000xf32>
    %add3A_17 = arith.addf %add3A, %get3A_16 : vector<16x10000xf32>
    %get3A_18 = arith.constant 3 : index
    %get3A_19 = arith.constant 0 : index
    %get3A_20 = arith.constant 0 : index
    %get3A_21 = vector.load %arg0[%get3A_18, %get3A_19, %get3A_20] : memref<8x16x10000xf32, #tpu.memory_space<vmem>>, vector<1x16x10000xf32>
    %get3A_22 = vector.shape_cast %get3A_21 : vector<1x16x10000xf32> to vector<16x10000xf32>
    %add3A_23 = arith.addf %add3A_17, %get3A_22 : vector<16x10000xf32>
    %get3A_24 = arith.constant 4 : index
    %get3A_25 = arith.constant 0 : index
    %get3A_26 = arith.constant 0 : index
    %get3A_27 = vector.load %arg0[%get3A_24, %get3A_25, %get3A_26] : memref<8x16x10000xf32, #tpu.memory_space<vmem>>, vector<1x16x10000xf32>
    %get3A_28 = vector.shape_cast %get3A_27 : vector<1x16x10000xf32> to vector<16x10000xf32>
    %add3A_29 = arith.addf %add3A_23, %get3A_28 : vector<16x10000xf32>
    %get3A_30 = arith.constant 5 : index
    %get3A_31 = arith.constant 0 : index
    %get3A_32 = arith.constant 0 : index
    %get3A_33 = vector.load %arg0[%get3A_30, %get3A_31, %get3A_32] : memref<8x16x10000xf32, #tpu.memory_space<vmem>>, vector<1x16x10000xf32>
    %get3A_34 = vector.shape_cast %get3A_33 : vector<1x16x10000xf32> to vector<16x10000xf32>
    %add3A_35 = arith.addf %add3A_29, %get3A_34 : vector<16x10000xf32>
    %get3A_36 = arith.constant 6 : index
    %get3A_37 = arith.constant 0 : index
    %get3A_38 = arith.constant 0 : index
    %get3A_39 = vector.load %arg0[%get3A_36, %get3A_37, %get3A_38] : memref<8x16x10000xf32, #tpu.memory_space<vmem>>, vector<1x16x10000xf32>
    %get3A_40 = vector.shape_cast %get3A_39 : vector<1x16x10000xf32> to vector<16x10000xf32>
    %add3A_41 = arith.addf %add3A_35, %get3A_40 : vector<16x10000xf32>
    %get3A_42 = arith.constant 7 : index
    %get3A_43 = arith.constant 0 : index
    %get3A_44 = arith.constant 0 : index
    %get3A_45 = vector.load %arg0[%get3A_42, %get3A_43, %get3A_44] : memref<8x16x10000xf32, #tpu.memory_space<vmem>>, vector<1x16x10000xf32>
    %get3A_46 = vector.shape_cast %get3A_45 : vector<1x16x10000xf32> to vector<16x10000xf32>
    %add3A_47 = arith.addf %add3A_41, %get3A_46 : vector<16x10000xf32>
    %mul3A = arith.mulf %get3A_1, %get3A_1 : vector<1x10000xf32>
    %get3A_48 = arith.constant 0 : index
    %get3A_49 = arith.constant 0 : index
    %get3A_50 = vector.load %arg1[%get3A_48, %get3A_49] : memref<16x10000xf32, #tpu.memory_space<vmem>>, vector<16x10000xf32>
    %mul3A_51 = vector.broadcast %mul3A : vector<1x10000xf32> to vector<16x10000xf32>
    %mul3A_52 = arith.mulf %mul3A_51, %get3A_50 : vector<16x10000xf32>
    %add3A_53 = arith.addf %add3A_47, %mul3A_52 : vector<16x10000xf32>
    %get3A_54 = arith.constant 0 : index
    %get3A_55 = arith.constant 0 : index
    %get3A_56 = vector.load %arg3[%get3A_54, %get3A_55] : memref<16x1xf32, #tpu.memory_space<vmem>>, vector<16x1xf32>
    %add3A_57 = vector.broadcast %get3A_56 : vector<16x1xf32> to vector<16x10000xf32>
    %add3A_58 = arith.addf %add3A_53, %add3A_57 : vector<16x10000xf32>
    %transpose3A = tpu.transpose %add3A_58, [1, 0] : vector<16x10000xf32> -> vector<10000x16xf32>
    %swap3A = arith.constant 0 : index
    %swap3A_59 = arith.constant 0 : index
    %swap3A_60 = vector.load %arg4[%swap3A, %swap3A_59] : memref<10000x16xf32, #tpu.memory_space<vmem>>, vector<10000x16xf32>
    tpu.vector_store %arg4[%swap3A, %swap3A_59], %transpose3A {strides = array<i32>} : memref<10000x16xf32, #tpu.memory_space<vmem>>, vector<10000x16xf32>,
    return
  }
}

</mosaic_0001>

<sc_bundles>
// kernel: kernel.12.cloned.1.call-start
scs
__scs_entry_jumppad:
0x0: {  	(pc) =	sbr.rel $0x88, $3  }
0x1: {  	(tag) =	ssettag $0x0;
	lr =	simm.s32 $0x1  }
0x2: {  	[smem:$0x3F9A] =	sst lr;
	_ =	strace $0xD0000000  }
0x3: {  	_ = 	snop  }
0x4: {  	_ = 	snop  }
0x5: {  	_ = 	snop  }
0x6: {  	_ = 	snop  }
0x7: {  	_ = 	snop  }
__scs_overlays_trampoline_lowered:
0x8: {  	[smem:$0x3FA9] =	sst s0  }
0x9: {  	[smem:$0x3FAA] =	sst s1  }
0xa: {  	[smem:$0x3FAB] =	sst s2  }
0xb: {  	[smem:$0x3FAC] =	sst s3  }
0xc: {  	[smem:$0x3FAD] =	sst s4  }
0xd: {  	[smem:$0x3FAE] =	sst s5  }
0xe: {  	[smem:$0x3FAF] =	sst s6  }
0xf: {  	[smem:$0x3FB0] =	sst s7  }
0x10: {  	[smem:$0x3FB1] =	sst s8  }
0x11: {  	[smem:$0x3FB2] =	sst s9;
	s0 =	simm.s32 @!p0 $0x0  }
0x12: {  	s1 =	sld [smem:$0x3F98];
	s0 =	simm.s32 @p0 $0x1  }
0x13: {  	[smem:$0x3FB3] =	sst s0;
	s0 =	simm.s32 @!p1 $0x0  }
0x14: {  	s2 =	sld [smem:$0x3F97];
	s0 =	simm.s32 @p1 $0x1  }
0x15: {  	[smem:$0x3FB4] =	sst s0;
	s0 =	simm.s32 @!p2 $0x0  }
0x16: {  	s3 =	sld [smem:$0x3FDB];
	s0 =	simm.s32 @p2 $0x1  }
0x17: {  	s4 =	simm.s32 $0x1BF5;
	[smem:$0x3FB6] =	sst s0  }
0x18: {  	s0 =	sld [smem:$0x3F99];
	_ =	swait.ge [sflag:s4], $0x0  }
0x19: {  	s7 =	sld [smem:$0x3F9A]  }
0x1a: {  	s8 =	sadd.s32 $0xFFFFE003, lr  }
0x1b: {  	s9 =	sadd.s32 $0xFFFFFEF7, lr;
	s5 =	simm.s32 $0xFFFFFFFF;
	p2 =	slt.u32 s8, $0xFFFFF086  }
0x1c: {  	p1 =	slt.u32 s9, $0xF7A;
	s5 =	simm.s32 @!p2 $0x0  }
0x1d: {  	s5 =	simm.s32 @p1 $0x1;
	p0 =	seq.s32 s7, s2  }
0x1e: {  	s7 =	smul.u32 @!p0 $0xF7A, s2;
	p2 =	seq.s32 @!p0 s5, $0x0  }
0x1f: {  	s9 =	smul.u32 $0xF7A, s1;
	s8 =	simm.s32 @!p0 $0x1BF5;
	p2 =	por !p2, p0  }
0x20: {  	[sflag:s8] =	ssyncset.s32 @!p0 $0xFFFFF086;
	s6 =	sadd.s32 @!p0 s3, s7;
	s7 =	simm.s32 @!p0 $0x108  }
0x21: {  	s3 =	sadd.s32 s3, s9;
	s6 =	sadd.s32 @!p0 $0x88, s6;
	s7 =	simm.s32 @p2 $0x1082  }
0x22: {  	[simem:s7], [sflag:s8] =	dma.local @!p0 [hbm:s6], $0xF7A  }
0x23: {  	s9 =	sor.u32 $0xD0000000, s2;
	s6 =	simm.s32 $0x108;
	_ =	swait.ge @!p0 [sflag:s8], $0x0  }
0x24: {  	s3 =	sadd.s32 $0x88, s3;
	s6 =	simm.s32 @!p1 $0x1082;
	[sflag:s4] =	ssyncset.s32 $0xFFFFF086  }
0x25: {  	[simem:s6], [sflag:s4] =	dma.local [hbm:s3], $0xF7A  }
0x26: {  	[smem:$0x3F9A] =	sst s1;
	(tag) =	ssettag s2;
	_ =	strace s9  }
0x27: {  	s1 =	sld [smem:$0x3FAA]  }
0x28: {  	s2 =	sld [smem:$0x3FAB]  }
0x29: {  	s4 =	sld [smem:$0x3FAD]  }
0x2a: {  	p0 =	seq.s32 s5, $0x0;
	s5 =	sld [smem:$0x3FAE]  }
0x2b: {  	s6 =	sld [smem:$0x3FAF]  }
0x2c: {  	s7 =	sld [smem:$0x3FB0]  }
0x2d: {  	s3 =	simm.s32 $0x108;
	s8 =	sld [smem:$0x3FB1]  }
0x2e: {  	s3 =	simm.s32 @!p0 $0x1082;
	s9 =	sld [smem:$0x3FB2]  }
0x2f: {  	lr =	sadd.s32 s0, s3;
	s0 =	sld [smem:$0x3FA9]  }
0x30: {  	s3 =	sld [smem:$0x3FAC]  }
0x31: {  	[smem:$0x3FB5] =	sst s10  }
0x32: {  	s10 =	sld [smem:$0x3FB3];
	_ =	sdelay $0x3  }
0x33: {  	p0 =	seq.s32 s10, $0x1;
	s10 =	sld [smem:$0x3FB5];
	_ =	sdelay $0x3  }
0x34: {  	[smem:$0x3FB5] =	sst s10  }
0x35: {  	s10 =	sld [smem:$0x3FB4];
	_ =	sdelay $0x3  }
0x36: {  	p1 =	seq.s32 s10, $0x1;
	s10 =	sld [smem:$0x3FB5];
	_ =	sdelay $0x3  }
0x37: {  	[smem:$0x3FB5] =	sst s10  }
0x38: {  	s10 =	sld [smem:$0x3FB6]  }
0x39: {  	_ = 	snop;
	(pc) =	sbr.ind lr, $3  }
0x3a: {  	_ = 	snop  }
0x3b: {  	_ = 	snop  }
0x3c: {  	p2 =	seq.s32 s10, $0x1;
	s10 =	sld [smem:$0x3FB5]  }
0x3d: {  	_ =	shalt  }
0x3e: {  	_ =	shalt  }
0x3f: {  	_ =	shalt  }
0x40: {  	_ =	shalt  }
0x41: {  	_ =	shalt  }
0x42: {  	_ =	shalt  }
0x43: {  	_ =	shalt  }
0x44: {  	_ =	shalt  }
0x45: {  	_ =	shalt  }
0x46: {  	_ =	shalt  }
0x47: {  	_ =	shalt  }
0x48: {  	_ =	shalt  }
0x49: {  	_ =	shalt  }
0x4a: {  	_ =	shalt  }
0x4b: {  	_ =	shalt  }
0x4c: {  	_ =	shalt  }
0x4d: {  	_ =	shalt  }
0x4e: {  	_ =	shalt  }
0x4f: {  	_ =	shalt  }
0x50: {  	_ =	shalt  }
0x51: {  	_ =	shalt  }
0x52: {  	_ =	shalt  }
0x53: {  	_ =	shalt  }
0x54: {  	_ =	shalt  }
0x55: {  	_ =	shalt  }
0x56: {  	_ =	shalt  }
0x57: {  	_ =	shalt  }
0x58: {  	_ =	shalt  }
0x59: {  	_ =	shalt  }
0x5a: {  	_ =	shalt  }
0x5b: {  	_ =	shalt  }
0x5c: {  	_ =	shalt  }
0x5d: {  	_ =	shalt  }
0x5e: {  	_ =	shalt  }
0x5f: {  	_ =	shalt  }
0x60: {  	_ =	shalt  }
0x61: {  	_ =	shalt  }
0x62: {  	_ =	shalt  }
0x63: {  	_ =	shalt  }
0x64: {  	_ =	shalt  }
0x65: {  	_ =	shalt  }
0x66: {  	_ =	shalt  }
0x67: {  	_ =	shalt  }
0x68: {  	_ =	shalt  }
0x69: {  	_ =	shalt  }
0x6a: {  	_ =	shalt  }
0x6b: {  	_ =	shalt  }
0x6c: {  	_ =	shalt  }
0x6d: {  	_ =	shalt  }
0x6e: {  	_ =	shalt  }
0x6f: {  	_ =	shalt  }
0x70: {  	_ =	shalt  }
0x71: {  	_ =	shalt  }
0x72: {  	_ =	shalt  }
0x73: {  	_ =	shalt  }
0x74: {  	_ =	shalt  }
0x75: {  	_ =	shalt  }
0x76: {  	_ =	shalt  }
0x77: {  	_ =	shalt  }
0x78: {  	_ =	shalt  }
0x79: {  	_ =	shalt  }
0x7a: {  	_ =	shalt  }
0x7b: {  	_ =	shalt  }
0x7c: {  	_ =	shalt  }
0x7d: {  	_ =	shalt  }
0x7e: {  	_ =	shalt  }
0x7f: {  	_ =	shalt  }
0x80: {  	_ =	shalt  }
0x81: {  	_ =	shalt  }
0x82: {  	_ =	shalt  }
0x83: {  	_ =	shalt  }
0x84: {  	_ =	shalt  }
0x85: {  	_ =	shalt  }
0x86: {  	_ =	shalt  }
0x87: {  	_ =	shalt  }
.Lfunc_end0:
.L_simem_size_0:
called_computation.1_lowered:
.L_overlay_start_0:
0x88: {  	s2 =	sld [smem:$0x3FD9]  }
0x89: {  	s3 =	sld [smem:$0x3FFE];
	_ =	sdelay $0x1  }
0x8a: {  	s1 =	srdreg.scid  }
0x8b: {  	s0 =	sand.u32 $0x1, s1  }
0x8c: {  	s17 =	sshll.u32 s0, $0xA;
	s2 =	sadd.s32 s3, s2  }
0x8d: {  	s2 =	sadd.s32 s2, s17  }
0x8e: {  	[smem:$0x3FC1] =	sst s2  }
0x8f: {  	_ = 	snop  }
0x90: {  	s2 =	sld [smem:$0x3FC7]  }
0x91: {  	s18 =	sld [smem:$0x3FD0];
	(tm) =	ssettm $0x1  }
0x92: {  	s4 =	sld [smem:$0x3FFB];
	_ =	sdelay $0x3  }
0x93: {  	_ =	strace s4  }
0x94: {  	s4 =	sld [smem:$0x3FFC];
	_ =	sdelay $0x3  }
0x95: {  	_ =	strace s4  }
0x96: {  	s4 =	sld [smem:$0x3FFD];
	_ =	sdelay $0x3  }
0x97: {  	_ =	strace s4  }
0x98: {  	_ =	strace $0x8FFFFFFF  }
0x99: {  	s19 =	sld [smem:$0x3FDB];
	_ =	sdelay $0x1  }
0x9a: {  	s5 =	simm.s32 $_scs_section_size  }
0x9b: {  	s6 =	simm.s32 $_size__tile_overlayer_lowered;
	s7 =	simm.s32 $_tile_overlayer_lowered  }
0x9c: {  	s22 =	simm.s32 $0x1BFF;
	s21 =	sshll.u32 s7, $0x1;
	s4 =	sadd.s32 s5, s19  }
0x9d: {  	s8 =	simm.s32 $0x0;
	s20 =	sshll.u32 s6, $0x1;
	s6 =	sadd.s32 s21, s4  }
0x9e: {  	[timem:s8], [sflag:s22] =	dma.local [hbm:s6], s20  }
0x9f: {  	_ =	swait.ge [sflag:s22], s20  }
0xa0: {  	s5 =	ssub.s32 $0x0, s20;
	[sflag:s22] =	ssyncset.done $0x0  }
0xa1: {  	[sflag:s22] =	ssyncadd.s32 s5;
	_ =	sdelay $0x1  }
0xa2: {  	s23 =	simm.s32 $0x1B8B  }
0xa3: {  	_ =	swait.ge [sflag:s23], $0x1  }
0xa4: {  	[sflag:s23] =	ssyncset.done $0x0  }
0xa5: {  	s25 =	simm.s32 $0x1B8E;
	s24 =	sld [smem:$0x3FFE];
	[sflag:s23] =	ssyncadd.s32 $0xFFFFFFFF  }
0xa6: {  	s26 =	simm.s32 $execute0_lowered;
	[smem:$0x3FD2] =	sst s25  }
0xa7: {  	s6 =	sshll.u32 s26, $0x1;
	_ =	strace $0x80000049;
	[dreg:$0x1] =	wrdreg $0xFFFFFFFF  }
0xa8: {  	s28 =	simm.s32 $_size_execute0_lowered;
	s4 =	sadd.s32 s4, s6;
	[dreg:$0x0] =	wrdreg $0x0  }
0xa9: {  	s6 =	sshll.u32 s28, $0x1;
	[dreg:$0x2] =	wrdreg s4  }
0xaa: {  	[dreg:$0x3] =	wrdreg s6  }
0xab: {  	[dreg:$0x4] =	wrdreg $0xC0  }
0xac: {  	_ =	task [dreg:s8], $0x5FFFF  }
0xad: {  	[dreg:$0x1] =	wrdreg $0xFFFFFFFF  }
0xae: {  	[dreg:$0x0] =	wrdreg $0x60  }
0xaf: {  	[dreg:$0x2] =	wrdreg s24  }
0xb0: {  	[dreg:$0x3] =	wrdreg s2  }
0xb1: {  	[dreg:$0x4] =	wrdreg s18  }
0xb2: {  	[dreg:$0x5] =	wrdreg $0x9  }
0xb3: {  	_ =	task.clear_ibuf [dreg:s8], $0x6FFFF;
	_ =	strace $0x90000049  }
0xb4: {  	s29 =	simm.s32 $0x9;
	_ =	strace $0x8000004B  }
0xb5: {  	_ =	swait.ge [sflag:s29], $0x1  }
0xb6: {  	[sflag:s29] =	ssyncadd.s32 $0xFFFFFFFF  }
0xb7: {  	_ =	strace $0x9000004B  }
0xb8: {  	_ =	sfence  }
0xb9: {  	s30 =	sld [smem:$0x0];
	_ =	sdelay $0x2  }
0xba: {  	s31 =	sshll.u32 s1, $0xD;
	s1 =	sshrl.u32 s1, $0x2  }
0xbb: {  	s3 =	sand.u32 $0x4000, s31;
	s1 =	sadd.s32 s1, s30  }
0xbc: {  	s0 =	sor.u32 s3, s0;
	s1 =	sshll.u32 s1, $0x11  }
0xbd: {  	s0 =	sor.u32 s1, s0  }
0xbe: {  	s0 =	sadd.s32 $0x8F2B, s0  }
0xbf: {  	[sflag:s0] =	ssyncadd.remote.s32 $0x1  }
0xc0: {  	_ =	sfence.sel $0xFFFF  }
0xc1: {  	[dreg:$0x0] =	wrdreg $0xFFFFFFFF;
	(pc) =	sbr.abs _section_cstart, $3  }
0xc2: {  	[dreg:$0x1] =	wrdreg $0xFFFFFFFF  }
0xc3: {  	_ =	task.clear_ibuf [dreg:s8], $0x2FFFF;
	_ =	strace $0x9FFFFFFF  }
0xc4: {  	(tm) =	ssettm $0x7FFFFFFF  }
0xc5: {  	_ =	shalt  }
tec
execute0_lowered:
.L_overlay_start_1:
0x0: {  	(tag) =	ssettag $0x1  }
0x1: {  	s4 =	rddreg [dreg:$0x0];
	s1 =	srdreg.scid  }
0x2: {  	s0 =	stileid.u32;
	s6 =	rddreg [dreg:$0x1]  }
0x3: {  	s2 =	rddreg [dreg:$0x2];
	s3 =	simm.s32 $0x0;
	s10 =	simm.s32 $0x1  }
0x4: {  	s11 =	simm.s32 $0x2780;
	s5 =	sand.u32 $0x1, s1;
	s30 =	sshll.u32 s0, $0x1  }
0x5: {  	s12 =	simm.s32 $0x4F00;
	s13 =	simm.s32 $0x7680;
	s7 =	sor.u32 s5, s30  }
0x6: {  	s1 =	rddreg [dreg:$0x3];
	s5 =	ssub.s32 $0x2, s5;
	s7 =	smul.u32 $0x4E2, s7  }
0x7: {  	s14 =	simm.s32 $0x0;
	[smem:$0x7FF] =	sst s3;
	s31 =	sshrl.u32 s5, $0x1  }
0x8: {  	_ =	strace $0x8000004A;
	s9 =	ssub.s32 s5, s31;
	s8 =	sadd.s32 s7, s4  }
0x9: {  	s6 =	sadd.s32 s6, s7;
	s4 =	sadd.s32 $0xCA00, s8;
	s5 =	sadd.s32 $0x2C00, s8  }
0xa: {  	s7 =	sadd.s32 $0x20600, s8;
	s8 =	smax.u32 s9, $0x1;
	s9 =	simm.s32 $0x9E00  }
.LBB2_1:
0xb: {  	[tilespmem:s9], [sflag:$0x1] =	stream.linear.gather [hbm4b:s2+s3], $0x2780, $0x38;
	[tilespmem:$0xC580] =	vst v63  }
0xc: {  	_ =	swait.ge [sflag:s10], $0x2780  }
0xd: {  	[sflag:s10] =	ssyncset.done $0x0  }
0xe: {  	[sflag:s10] =	ssyncadd.s32 $0xFFFFD880  }
0xf: {  	[tilespmem:s3], [sflag:$0x1] =	stream.linear.gather [hbm4b:s4+s3], $0x2710, $0x38;
	[tilespmem:$0xC580] =	vst v63  }
0x10: {  	_ =	swait.ge [sflag:s10], $0x2710  }
0x11: {  	[sflag:s10] =	ssyncset.done $0x0  }
0x12: {  	[sflag:s10] =	ssyncadd.s32 $0xFFFFD8F0  }
0x13: {  	[tilespmem:s11], [sflag:$0x1] =	stream.linear.gather [hbm4b:s5+s3], $0x2710, $0x38;
	[tilespmem:$0xC580] =	vst v63  }
0x14: {  	_ =	swait.ge [sflag:s10], $0x2710  }
0x15: {  	[sflag:s10] =	ssyncset.done $0x0  }
0x16: {  	[sflag:s10] =	ssyncadd.s32 $0xFFFFD8F0  }
0x17: {  	[tilespmem:s12], [sflag:$0x1] =	stream.linear.gather [hbm4b:s6+s3], $0x2710, $0x38;
	[tilespmem:$0xC580] =	vst v63  }
0x18: {  	_ =	swait.ge [sflag:s10], $0x2710  }
0x19: {  	[sflag:s10] =	ssyncset.done $0x0  }
0x1a: {  	s16 =	simm.s32 $0x20;
	[sflag:s10] =	ssyncadd.s32 $0xFFFFD8F0  }
0x1b: {  	v0 =	vld [tilespmem:s16+$0x20]  }
0x1c: {  	s15 =	simm.s32 $0x27A0;
	v1 =	vld [tilespmem:s16+$0xFFFFFFF0]  }
0x1d: {  	v2 =	vld [tilespmem:s15+$0x20]  }
0x1e: {  	v3 =	vld [tilespmem:s16+$0x0]  }
0x1f: {  	v4 =	vld [tilespmem:s16+$0x10]  }
0x20: {  	v5 =	vld [tilespmem:s16+$0xFFFFFFE0]  }
0x21: {  	v6 =	vld [tilespmem:s15+$0xFFFFFFE0]  }
0x22: {  	v7 =	vld [tilespmem:s15+$0xFFFFFFF0]  }
0x23: {  	v10 =	vld [tilespmem:s15+$0x0]  }
0x24: {  	s16 =	simm.s32 $0x4F20;
	v11 =	vld [tilespmem:s15+$0x10]  }
0x25: {  	v9 =	vld [tilespmem:s16+$0x20]  }
0x26: {  	v15 =	vld [tilespmem:s16+$0x0]  }
0x27: {  	v8 =	vld.idx.msk [tilespmem:v0+s9+$0x0], $0xffff  }
0x28: {  	v2 =	vld.idx.msk [tilespmem:v2+s9+$0x0], $0xffff  }
0x29: {  	v12 =	vld.idx.msk [tilespmem:v5+s9+$0x0], $0xffff  }
0x2a: {  	v13 =	vld.idx.msk [tilespmem:v1+s9+$0x0], $0xffff  }
0x2b: {  	v14 =	vld.idx.msk [tilespmem:v3+s9+$0x0], $0xffff  }
0x2c: {  	v3 =	vld [tilespmem:s16+$0xFFFFFFE0]  }
0x2d: {  	v0 =	vld.idx.msk [tilespmem:v4+s9+$0x0], $0xffff  }
0x2e: {  	v4 =	vld [tilespmem:s16+$0xFFFFFFF0]  }
0x2f: {  	v5 =	vld [tilespmem:s16+$0x10];
	v8 =	vmul.f32 v9, v8  }
0x30: {  	v1 =	vld.idx.msk [tilespmem:v6+s9+$0x0], $0xffff  }
0x31: {  	v6 =	vmul.f32 v3, v12;
	v3 =	vld.idx.msk [tilespmem:v10+s9+$0x0], $0xffff;
	v8 =	vmul.f32 v8, v2  }
0x32: {  	s17 =	simm.s32 $0x76A0;
	v2 =	vld.idx.msk [tilespmem:v7+s9+$0x0], $0xffff  }
0x33: {  	s18 =	simm.s32 $0x0;
	s19 =	simm.s32 $0x70;
	v7 =	vmul.f32 v15, v14;
	[tilespmem:s17+$0x20] =	vst v8;
	v8 =	vmul.f32 v4, v13;
	v4 =	vld.idx.msk [tilespmem:v11+s9+$0x0], $0xffff  }
.LBB2_2:
0x34: {  	v9 =	vld [tilespmem:s19+$0x20];
	s18 =	sadd.s32 $0x5, s18;
	v0 =	vmul.f32 v5, v0  }
0x35: {  	s15 =	sadd.s32 $0x50, s15;
	v5 =	vld [tilespmem:s19+$0xFFFFFFF0];
	p0 =	slt.u32 s18, $0x26C  }
0x36: {  	v1 =	vmul.f32 v6, v1;
	v10 =	vld [tilespmem:s15+$0x20]  }
0x37: {  	v2 =	vmul.f32 v8, v2;
	v6 =	vld [tilespmem:s19+$0x0]  }
0x38: {  	v8 =	vld [tilespmem:s19+$0x10];
	[tilespmem:s17+$0xFFFFFFE0] =	vst v1;
	v1 =	vmul.f32 v7, v3  }
0x39: {  	v0 =	vmul.f32 v0, v4;
	v3 =	vld [tilespmem:s19+$0xFFFFFFE0];
	[tilespmem:s17+$0xFFFFFFF0] =	vst v2  }
0x3a: {  	v2 =	vld [tilespmem:s15+$0xFFFFFFE0];
	[tilespmem:s17+$0x0] =	vst v1  }
0x3b: {  	v4 =	vld [tilespmem:s15+$0xFFFFFFF0];
	[tilespmem:s17+$0x10] =	vst v0  }
0x3c: {  	s16 =	sadd.s32 $0x50, s16;
	v0 =	vld.idx.msk [tilespmem:v9+s9+$0x0], $0xffff  }
0x3d: {  	v1 =	vld [tilespmem:s16+$0x20]  }
0x3e: {  	v7 =	vld.idx.msk [tilespmem:v10+s9+$0x0], $0xffff  }
0x3f: {  	v9 =	vld [tilespmem:s15+$0x0]  }
0x40: {  	v10 =	vld [tilespmem:s15+$0x10]  }
0x41: {  	v3 =	vld.idx.msk [tilespmem:v3+s9+$0x0], $0xffff  }
0x42: {  	v11 =	vld.idx.msk [tilespmem:v5+s9+$0x0], $0xffff;
	v1 =	vmul.f32 v1, v0  }
0x43: {  	v12 =	vld.idx.msk [tilespmem:v6+s9+$0x0], $0xffff  }
0x44: {  	v0 =	vld.idx.msk [tilespmem:v8+s9+$0x0], $0xffff;
	v1 =	vmul.f32 v1, v7  }
0x45: {  	s17 =	sadd.s32 $0x50, s17;
	v6 =	vld [tilespmem:s16+$0xFFFFFFE0]  }
0x46: {  	v7 =	vld [tilespmem:s16+$0xFFFFFFF0];
	[tilespmem:s17+$0x20] =	vst v1  }
0x47: {  	v13 =	vld [tilespmem:s16+$0x0]  }
.Ltmp0:
0x48: {  	v5 =	vld [tilespmem:s16+$0x10];
	(pc) =	sbr.rel @p0 .LBB2_2-.Ltmp0, $4  }
0x49: {  	v1 =	vld.idx.msk [tilespmem:v2+s9+$0x0], $0xffff  }
0x4a: {  	v6 =	vmul.f32 v6, v3;
	v2 =	vld.idx.msk [tilespmem:v4+s9+$0x0], $0xffff  }
0x4b: {  	v8 =	vmul.f32 v7, v11;
	v3 =	vld.idx.msk [tilespmem:v9+s9+$0x0], $0xffff  }
0x4c: {  	s19 =	sadd.s32 $0x50, s19;
	v7 =	vmul.f32 v13, v12;
	v4 =	vld.idx.msk [tilespmem:v10+s9+$0x0], $0xffff  }
0x4d: {  	_ = 	snop  }
0x4e: {  	v1 =	vmul.f32 v6, v1  }
0x4f: {  	v0 =	vmul.f32 v5, v0;
	v2 =	vmul.f32 v8, v2  }
0x50: {  	[tilespmem:s17+$0xFFFFFFE0] =	vst v1;
	v63 =	vmul.f32 v7, v3  }
0x51: {  	s14 =	sadd.s32 $0x1, s14;
	[tilespmem:s17+$0xFFFFFFF0] =	vst v2;
	v0 =	vmul.f32 v0, v4  }
0x52: {  	p0 =	sne.s32 s14, s8;
	[tilespmem:s17+$0x0] =	vst v63  }
.Ltmp1:
0x53: {  	[tilespmem:s17+$0x10] =	vst v0;
	(pc) =	sbr.rel @p0 .LBB2_1-.Ltmp1, $4  }
0x54: {  	[hbm4b:s7+s3] =	stream.linear.scatter [tilespmem:s13], [sflag:$0x1], $0x2710, $0x38;
	[tilespmem:$0xC580] =	vst v63  }
0x55: {  	_ =	swait.ge [sflag:s10], $0x2710  }
0x56: {  	[sflag:s10] =	ssyncset.done $0x0  }
0x57: {  	[sflag:s10] =	ssyncadd.s32 $0xFFFFD8F0  }
0x58: {  	_ =	sfence.sel $0x180000  }
0x59: {  	[bflag:$0x0] =	sbarrier.arrive $0xFFFF  }
0x5a: {  	p0 =	sne.s32 s0, $0x0;
	_ =	strace $0x9000004A  }
0x5b: {  	s0 =	sadd.s32 @!p0 $0x100000, s1;
	[bflag:$0x2] =	sbarrier.arrive $0xFFFF  }
0x5c: {  	[sflag:s0] =	ssyncadd.tile.s32 @!p0 $0x1;
	_ =	shalt  }
.Lfunc_end2:
_tile_overlayer_lowered:
.L_overlay_start_2:
0x5d: {  	(tag) =	ssettag $0x2  }
0x5e: {  	s0 =	rddreg [dreg:$0x0];
	s2 =	stileid.u32  }
0x5f: {  	s1 =	rddreg [dreg:$0x1];
	p0 =	sne.s32 s2, $0x0  }
0x60: {  	s3 =	rddreg [dreg:$0x2];
	[bflag:$0x3] =	sbarrier.arrive $0xFFFF;
	s2 =	simm.s32 @!p0 $0x1C01  }
0x61: {  	[timem:s3], [sflag:s2] =	dma.local @!p0 [hbm:s0], s1  }
0x62: {  	s0 =	simm.s32 @!p0 $0x1  }
0x63: {  	_ =	swait.ge @!p0 [sflag:s0], s1  }
0x64: {  	s1 =	ssub.s32 @!p0 $0x0, s1;
	[sflag:s0] =	ssyncset.done @!p0 $0x0  }
0x65: {  	[sflag:s0] =	ssyncadd.s32 @!p0 s1  }
0x66: {  	[bflag:$0x3] =	sbarrier.arrive $0xFFFF  }
0x67: {  	_ =	shalt  }

// kernel: kernel.15.cloned.1.call-start
scs
__scs_entry_jumppad:
0x0: {  	(pc) =	sbr.rel $0x88, $3  }
0x1: {  	(tag) =	ssettag $0x0;
	lr =	simm.s32 $0x1  }
0x2: {  	[smem:$0x3F9A] =	sst lr;
	_ =	strace $0xD0000000  }
0x3: {  	_ = 	snop  }
0x4: {  	_ = 	snop  }
0x5: {  	_ = 	snop  }
0x6: {  	_ = 	snop  }
0x7: {  	_ = 	snop  }
__scs_overlays_trampoline_lowered:
0x8: {  	[smem:$0x3FA9] =	sst s0  }
0x9: {  	[smem:$0x3FAA] =	sst s1  }
0xa: {  	[smem:$0x3FAB] =	sst s2  }
0xb: {  	[smem:$0x3FAC] =	sst s3  }
0xc: {  	[smem:$0x3FAD] =	sst s4  }
0xd: {  	[smem:$0x3FAE] =	sst s5  }
0xe: {  	[smem:$0x3FAF] =	sst s6  }
0xf: {  	[smem:$0x3FB0] =	sst s7  }
0x10: {  	[smem:$0x3FB1] =	sst s8  }
0x11: {  	[smem:$0x3FB2] =	sst s9;
	s0 =	simm.s32 @!p0 $0x0  }
0x12: {  	s1 =	sld [smem:$0x3F98];
	s0 =	simm.s32 @p0 $0x1  }
0x13: {  	[smem:$0x3FB3] =	sst s0;
	s0 =	simm.s32 @!p1 $0x0  }
0x14: {  	s2 =	sld [smem:$0x3F97];
	s0 =	simm.s32 @p1 $0x1  }
0x15: {  	[smem:$0x3FB4] =	sst s0;
	s0 =	simm.s32 @!p2 $0x0  }
0x16: {  	s3 =	sld [smem:$0x3FDB];
	s0 =	simm.s32 @p2 $0x1  }
0x17: {  	s4 =	simm.s32 $0x1BF5;
	[smem:$0x3FB6] =	sst s0  }
0x18: {  	s0 =	sld [smem:$0x3F99];
	_ =	swait.ge [sflag:s4], $0x0  }
0x19: {  	s7 =	sld [smem:$0x3F9A]  }
0x1a: {  	s8 =	sadd.s32 $0xFFFFE003, lr  }
0x1b: {  	s9 =	sadd.s32 $0xFFFFFEF7, lr;
	s5 =	simm.s32 $0xFFFFFFFF;
	p2 =	slt.u32 s8, $0xFFFFF086  }
0x1c: {  	p1 =	slt.u32 s9, $0xF7A;
	s5 =	simm.s32 @!p2 $0x0  }
0x1d: {  	s5 =	simm.s32 @p1 $0x1;
	p0 =	seq.s32 s7, s2  }
0x1e: {  	s7 =	smul.u32 @!p0 $0xF7A, s2;
	p2 =	seq.s32 @!p0 s5, $0x0  }
0x1f: {  	s9 =	smul.u32 $0xF7A, s1;
	s8 =	simm.s32 @!p0 $0x1BF5;
	p2 =	por !p2, p0  }
0x20: {  	[sflag:s8] =	ssyncset.s32 @!p0 $0xFFFFF086;
	s6 =	sadd.s32 @!p0 s3, s7;
	s7 =	simm.s32 @!p0 $0x108  }
0x21: {  	s3 =	sadd.s32 s3, s9;
	s6 =	sadd.s32 @!p0 $0x88, s6;
	s7 =	simm.s32 @p2 $0x1082  }
0x22: {  	[simem:s7], [sflag:s8] =	dma.local @!p0 [hbm:s6], $0xF7A  }
0x23: {  	s9 =	sor.u32 $0xD0000000, s2;
	s6 =	simm.s32 $0x108;
	_ =	swait.ge @!p0 [sflag:s8], $0x0  }
0x24: {  	s3 =	sadd.s32 $0x88, s3;
	s6 =	simm.s32 @!p1 $0x1082;
	[sflag:s4] =	ssyncset.s32 $0xFFFFF086  }
0x25: {  	[simem:s6], [sflag:s4] =	dma.local [hbm:s3], $0xF7A  }
0x26: {  	[smem:$0x3F9A] =	sst s1;
	(tag) =	ssettag s2;
	_ =	strace s9  }
0x27: {  	s1 =	sld [smem:$0x3FAA]  }
0x28: {  	s2 =	sld [smem:$0x3FAB]  }
0x29: {  	s4 =	sld [smem:$0x3FAD]  }
0x2a: {  	p0 =	seq.s32 s5, $0x0;
	s5 =	sld [smem:$0x3FAE]  }
0x2b: {  	s6 =	sld [smem:$0x3FAF]  }
0x2c: {  	s7 =	sld [smem:$0x3FB0]  }
0x2d: {  	s3 =	simm.s32 $0x108;
	s8 =	sld [smem:$0x3FB1]  }
0x2e: {  	s3 =	simm.s32 @!p0 $0x1082;
	s9 =	sld [smem:$0x3FB2]  }
0x2f: {  	lr =	sadd.s32 s0, s3;
	s0 =	sld [smem:$0x3FA9]  }
0x30: {  	s3 =	sld [smem:$0x3FAC]  }
0x31: {  	[smem:$0x3FB5] =	sst s10  }
0x32: {  	s10 =	sld [smem:$0x3FB3];
	_ =	sdelay $0x3  }
0x33: {  	p0 =	seq.s32 s10, $0x1;
	s10 =	sld [smem:$0x3FB5];
	_ =	sdelay $0x3  }
0x34: {  	[smem:$0x3FB5] =	sst s10  }
0x35: {  	s10 =	sld [smem:$0x3FB4];
	_ =	sdelay $0x3  }
0x36: {  	p1 =	seq.s32 s10, $0x1;
	s10 =	sld [smem:$0x3FB5];
	_ =	sdelay $0x3  }
0x37: {  	[smem:$0x3FB5] =	sst s10  }
0x38: {  	s10 =	sld [smem:$0x3FB6]  }
0x39: {  	_ = 	snop;
	(pc) =	sbr.ind lr, $3  }
0x3a: {  	_ = 	snop  }
0x3b: {  	_ = 	snop  }
0x3c: {  	p2 =	seq.s32 s10, $0x1;
	s10 =	sld [smem:$0x3FB5]  }
0x3d: {  	_ =	shalt  }
0x3e: {  	_ =	shalt  }
0x3f: {  	_ =	shalt  }
0x40: {  	_ =	shalt  }
0x41: {  	_ =	shalt  }
0x42: {  	_ =	shalt  }
0x43: {  	_ =	shalt  }
0x44: {  	_ =	shalt  }
0x45: {  	_ =	shalt  }
0x46: {  	_ =	shalt  }
0x47: {  	_ =	shalt  }
0x48: {  	_ =	shalt  }
0x49: {  	_ =	shalt  }
0x4a: {  	_ =	shalt  }
0x4b: {  	_ =	shalt  }
0x4c: {  	_ =	shalt  }
0x4d: {  	_ =	shalt  }
0x4e: {  	_ =	shalt  }
0x4f: {  	_ =	shalt  }
0x50: {  	_ =	shalt  }
0x51: {  	_ =	shalt  }
0x52: {  	_ =	shalt  }
0x53: {  	_ =	shalt  }
0x54: {  	_ =	shalt  }
0x55: {  	_ =	shalt  }
0x56: {  	_ =	shalt  }
0x57: {  	_ =	shalt  }
0x58: {  	_ =	shalt  }
0x59: {  	_ =	shalt  }
0x5a: {  	_ =	shalt  }
0x5b: {  	_ =	shalt  }
0x5c: {  	_ =	shalt  }
0x5d: {  	_ =	shalt  }
0x5e: {  	_ =	shalt  }
0x5f: {  	_ =	shalt  }
0x60: {  	_ =	shalt  }
0x61: {  	_ =	shalt  }
0x62: {  	_ =	shalt  }
0x63: {  	_ =	shalt  }
0x64: {  	_ =	shalt  }
0x65: {  	_ =	shalt  }
0x66: {  	_ =	shalt  }
0x67: {  	_ =	shalt  }
0x68: {  	_ =	shalt  }
0x69: {  	_ =	shalt  }
0x6a: {  	_ =	shalt  }
0x6b: {  	_ =	shalt  }
0x6c: {  	_ =	shalt  }
0x6d: {  	_ =	shalt  }
0x6e: {  	_ =	shalt  }
0x6f: {  	_ =	shalt  }
0x70: {  	_ =	shalt  }
0x71: {  	_ =	shalt  }
0x72: {  	_ =	shalt  }
0x73: {  	_ =	shalt  }
0x74: {  	_ =	shalt  }
0x75: {  	_ =	shalt  }
0x76: {  	_ =	shalt  }
0x77: {  	_ =	shalt  }
0x78: {  	_ =	shalt  }
0x79: {  	_ =	shalt  }
0x7a: {  	_ =	shalt  }
0x7b: {  	_ =	shalt  }
0x7c: {  	_ =	shalt  }
0x7d: {  	_ =	shalt  }
0x7e: {  	_ =	shalt  }
0x7f: {  	_ =	shalt  }
0x80: {  	_ =	shalt  }
0x81: {  	_ =	shalt  }
0x82: {  	_ =	shalt  }
0x83: {  	_ =	shalt  }
0x84: {  	_ =	shalt  }
0x85: {  	_ =	shalt  }
0x86: {  	_ =	shalt  }
0x87: {  	_ =	shalt  }
.Lfunc_end0:
.L_simem_size_0:
called_computation.2_lowered:
.L_overlay_start_0:
0x88: {  	s2 =	sld [smem:$0x3FD9]  }
0x89: {  	s3 =	sld [smem:$0x3FFE];
	_ =	sdelay $0x1  }
0x8a: {  	s1 =	srdreg.scid  }
0x8b: {  	s0 =	sand.u32 $0x1, s1  }
0x8c: {  	s16 =	sshll.u32 s0, $0xA;
	s2 =	sadd.s32 s3, s2  }
0x8d: {  	s2 =	sadd.s32 s2, s16  }
0x8e: {  	[smem:$0x3FC1] =	sst s2  }
0x8f: {  	_ = 	snop  }
0x90: {  	(tm) =	ssettm $0x1  }
0x91: {  	s17 =	sld [smem:$0x3FFB];
	_ =	sdelay $0x3  }
0x92: {  	_ =	strace s17  }
0x93: {  	s2 =	sld [smem:$0x3FFC];
	_ =	sdelay $0x3  }
0x94: {  	_ =	strace s2  }
0x95: {  	s2 =	sld [smem:$0x3FFD];
	_ =	sdelay $0x3  }
0x96: {  	_ =	strace s2  }
0x97: {  	_ =	strace $0x8FFFFFFF  }
0x98: {  	s18 =	sld [smem:$0x3FDB];
	_ =	sdelay $0x1  }
0x99: {  	s19 =	simm.s32 $_scs_section_size  }
0x9a: {  	s4 =	simm.s32 $_size__tile_overlayer_lowered;
	s5 =	simm.s32 $_tile_overlayer_lowered  }
0x9b: {  	s22 =	simm.s32 $0x1BFF;
	s21 =	sshll.u32 s5, $0x1;
	s2 =	sadd.s32 s19, s18  }
0x9c: {  	s6 =	simm.s32 $0x0;
	s20 =	sshll.u32 s4, $0x1;
	s4 =	sadd.s32 s21, s2  }
0x9d: {  	[timem:s6], [sflag:s22] =	dma.local [hbm:s4], s20  }
0x9e: {  	_ =	swait.ge [sflag:s22], s20  }
0x9f: {  	s3 =	ssub.s32 $0x0, s20;
	[sflag:s22] =	ssyncset.done $0x0  }
0xa0: {  	[sflag:s22] =	ssyncadd.s32 s3;
	_ =	sdelay $0x1  }
0xa1: {  	s23 =	simm.s32 $0x1B8B  }
0xa2: {  	_ =	swait.ge [sflag:s23], $0x1  }
0xa3: {  	[sflag:s23] =	ssyncset.done $0x0  }
0xa4: {  	s25 =	simm.s32 $0x1B8E;
	s24 =	sld [smem:$0x3FFE];
	[sflag:s23] =	ssyncadd.s32 $0xFFFFFFFF  }
0xa5: {  	s26 =	simm.s32 $execute0_lowered;
	[smem:$0x3FD2] =	sst s25  }
0xa6: {  	s4 =	sshll.u32 s26, $0x1;
	_ =	strace $0x8000004C;
	[dreg:$0x1] =	wrdreg $0xFFFFFFFF  }
0xa7: {  	s28 =	simm.s32 $_size_execute0_lowered;
	s2 =	sadd.s32 s2, s4;
	[dreg:$0x0] =	wrdreg $0x0  }
0xa8: {  	s4 =	sshll.u32 s28, $0x1;
	[dreg:$0x2] =	wrdreg s2  }
0xa9: {  	[dreg:$0x3] =	wrdreg s4  }
0xaa: {  	[dreg:$0x4] =	wrdreg $0xC0  }
0xab: {  	_ =	task [dreg:s6], $0x5FFFF  }
0xac: {  	[dreg:$0x1] =	wrdreg $0xFFFFFFFF  }
0xad: {  	[dreg:$0x0] =	wrdreg $0x60  }
0xae: {  	[dreg:$0x2] =	wrdreg s24  }
0xaf: {  	[dreg:$0x3] =	wrdreg $0x9  }
0xb0: {  	_ =	task.clear_ibuf [dreg:s6], $0x4FFFF;
	_ =	strace $0x9000004C  }
0xb1: {  	s29 =	simm.s32 $0x9;
	_ =	strace $0x8000004E  }
0xb2: {  	_ =	swait.ge [sflag:s29], $0x1  }
0xb3: {  	[sflag:s29] =	ssyncadd.s32 $0xFFFFFFFF  }
0xb4: {  	_ =	strace $0x9000004E  }
0xb5: {  	_ =	sfence  }
0xb6: {  	s30 =	sld [smem:$0x0];
	_ =	sdelay $0x2  }
0xb7: {  	s31 =	sshll.u32 s1, $0xD;
	s1 =	sshrl.u32 s1, $0x2  }
0xb8: {  	s3 =	sand.u32 $0x4000, s31;
	s1 =	sadd.s32 s1, s30  }
0xb9: {  	s0 =	sor.u32 s3, s0;
	s1 =	sshll.u32 s1, $0x11  }
0xba: {  	s0 =	sor.u32 s1, s0  }
0xbb: {  	s0 =	sadd.s32 $0x8F2B, s0  }
0xbc: {  	[sflag:s0] =	ssyncadd.remote.s32 $0x1  }
0xbd: {  	_ =	sfence.sel $0xFFFF  }
0xbe: {  	[dreg:$0x0] =	wrdreg $0xFFFFFFFF;
	(pc) =	sbr.abs _section_cstart, $3  }
0xbf: {  	[dreg:$0x1] =	wrdreg $0xFFFFFFFF  }
0xc0: {  	_ =	task.clear_ibuf [dreg:s6], $0x2FFFF;
	_ =	strace $0x9FFFFFFF  }
0xc1: {  	(tm) =	ssettm $0x7FFFFFFF  }
tec
execute0_lowered:
.L_overlay_start_1:
0x0: {  	(tag) =	ssettag $0x1  }
0x1: {  	s0 =	rddreg [dreg:$0x0];
	s1 =	simm.s32 $0x0;
	s2 =	srdreg.scid  }
0x2: {  	s10 =	stileid.u32;
	s16 =	simm.s32 $0x80;
	s17 =	simm.s32 $0x400  }
0x3: {  	s18 =	simm.s32 $0x7680;
	s19 =	simm.s32 $0x1;
	s20 =	simm.s32 $0x9E00  }
0x4: {  	s28 =	simm.s32 $0x16380;
	s29 =	simm.s32 $0x18B00;
	s30 =	simm.s32 $0x0  }
0x5: {  	[smem:$0x7FF] =	sst s1;
	s3 =	sadd.s32 $0xCA00, s0;
	s4 =	sadd.s32 $0x2C00, s0  }
0x6: {  	s5 =	sadd.s32 $0x20600, s0;
	s2 =	sand.u32 $0x1, s2;
	s8 =	sand.u32 $0x3, s10  }
0x7: {  	s6 =	sadd.s32 $0x16800, s0;
	s10 =	sshrl.u32 s10, $0x2;
	s8 =	smul.u32 $0x13C00, s8  }
0x8: {  	s0 =	sadd.s32 $0x2A400, s0;
	_ =	strace $0x8000004D;
	s13 =	smul.u32 $0x4F000, s10  }
0x9: {  	s7 =	ssub.s32 $0x2, s2;
	s2 =	sshll.u32 s2, $0x9;
	s10 =	smul.u32 $0x13880, s10  }
0xa: {  	s9 =	sshrl.u32 s7, $0x1;
	s21 =	sor.u32 $0x80, s2;
	s23 =	sor.u32 $0x100, s2  }
0xb: {  	s14 =	sor.u32 $0x180, s2;
	s7 =	ssub.s32 s7, s9;
	s11 =	sor.u32 s2, s8  }
0xc: {  	s12 =	sor.u32 s21, s8;
	s24 =	sor.u32 s23, s8;
	s13 =	sadd.s32 s8, s13  }
0xd: {  	s8 =	sor.u32 s14, s8;
	s11 =	sshrl.u32 s11, $0x3;
	s12 =	sshrl.u32 s12, $0x3  }
0xe: {  	s2 =	sor.u32 s2, s13;
	s8 =	sshrl.u32 s8, $0x3;
	s25 =	sor.u32 s21, s13  }
0xf: {  	s26 =	sor.u32 s23, s13;
	s31 =	sor.u32 s14, s13;
	s15 =	smax.u32 s7, $0x1  }
0x10: {  	s21 =	simm.s32 $0xC580;
	s23 =	simm.s32 $0x2780;
	s11 =	sadd.s32 s6, s11  }
0x11: {  	s22 =	sadd.s32 s6, s12;
	s12 =	sshrl.u32 s24, $0x3;
	[dreg:$0x2] =	wrdreg s11  }
0x12: {  	s2 =	sshrl.u32 s2, $0x3;
	[dreg:$0x3] =	wrdreg s22;
	s12 =	sadd.s32 s6, s12  }
0x13: {  	s24 =	simm.s32 $0x4F00;
	s6 =	sadd.s32 s6, s8;
	[dreg:$0x4] =	wrdreg s12  }
0x14: {  	s2 =	sadd.s32 s0, s2;
	s8 =	sshrl.u32 s31, $0x3;
	[dreg:$0x5] =	wrdreg s6  }
0x15: {  	s22 =	simm.s32 $0xED00;
	[dreg:$0x6] =	wrdreg s2;
	s2 =	sshrl.u32 s25, $0x3  }
0x16: {  	s6 =	sshrl.u32 s26, $0x3;
	s14 =	sadd.s32 s0, s8;
	s25 =	simm.s32 $0x11480  }
0x17: {  	v0 =	vimm.f32 $0.0e+00;
	s26 =	simm.s32 $0x13C00;
	s12 =	sadd.s32 s0, s2;
	s13 =	sadd.s32 s0, s6  }
.LBB2_1:
0x18: {  	s0 =	rddreg [dreg:$0x2]  }
0x19: {  	[tilespmem:s18], [sflag:$0x1] =	stream.strided.gather [hbm4b:s0+s16], $0x2780, s17, s16, $0x38;
	[tilespmem:$0x1B280] =	vst v63  }
0x1a: {  	_ =	swait.ge [sflag:s19], $0x2780  }
0x1b: {  	[sflag:s19] =	ssyncset.done $0x0  }
0x1c: {  	s9 =	rddreg [dreg:$0x3];
	[sflag:s19] =	ssyncadd.s32 $0xFFFFD880  }
0x1d: {  	[tilespmem:s20], [sflag:$0x1] =	stream.strided.gather [hbm4b:s9+s16], $0x2780, s17, s16, $0x38;
	[tilespmem:$0x1B280] =	vst v63  }
0x1e: {  	_ =	swait.ge [sflag:s19], $0x2780  }
0x1f: {  	[sflag:s19] =	ssyncset.done $0x0  }
0x20: {  	s11 =	rddreg [dreg:$0x4];
	[sflag:s19] =	ssyncadd.s32 $0xFFFFD880  }
0x21: {  	[tilespmem:s21], [sflag:$0x1] =	stream.strided.gather [hbm4b:s11+s16], $0x2780, s17, s16, $0x38;
	[tilespmem:$0x1B280] =	vst v63  }
0x22: {  	_ =	swait.ge [sflag:s19], $0x2780  }
0x23: {  	[sflag:s19] =	ssyncset.done $0x0  }
0x24: {  	s31 =	rddreg [dreg:$0x5];
	[sflag:s19] =	ssyncadd.s32 $0xFFFFD880  }
0x25: {  	[tilespmem:s22], [sflag:$0x1] =	stream.strided.gather [hbm4b:s31+s16], $0x2780, s17, s16, $0x38;
	[tilespmem:$0x1B280] =	vst v63  }
0x26: {  	_ =	swait.ge [sflag:s19], $0x2780  }
0x27: {  	[sflag:s19] =	ssyncset.done $0x0  }
0x28: {  	s0 =	simm.s32 $0x114A0;
	[sflag:s19] =	ssyncadd.s32 $0xFFFFD880  }
0x29: {  	[tilespmem:s0+$0x10] =	vst v0  }
0x2a: {  	[tilespmem:s0+$0xFFFFFFF0] =	vst v0  }
0x2b: {  	[tilespmem:s0+$0x0] =	vst v0  }
0x2c: {  	[tilespmem:s0+$0xFFFFFFE0] =	vst v0  }
0x2d: {  	s2 =	simm.s32 $0x13C20;
	[tilespmem:s0+$0x20] =	vst v0  }
0x2e: {  	[tilespmem:s2+$0xFFFFFFE0] =	vst v0  }
0x2f: {  	[tilespmem:s2+$0x20] =	vst v0  }
0x30: {  	[tilespmem:s2+$0x0] =	vst v0  }
0x31: {  	[tilespmem:s2+$0xFFFFFFF0] =	vst v0  }
0x32: {  	s6 =	simm.s32 $0x163A0;
	[tilespmem:s2+$0x10] =	vst v0  }
0x33: {  	[tilespmem:s6+$0xFFFFFFE0] =	vst v0  }
0x34: {  	[tilespmem:s6+$0x20] =	vst v0  }
0x35: {  	[tilespmem:s6+$0x0] =	vst v0  }
0x36: {  	s7 =	simm.s32 $0x18B20;
	[tilespmem:s6+$0x10] =	vst v0  }
0x37: {  	[tilespmem:s7+$0xFFFFFFE0] =	vst v0  }
0x38: {  	[tilespmem:s7+$0x20] =	vst v0  }
0x39: {  	s8 =	simm.s32 $0x0;
	s9 =	simm.s32 $0x163F0;
	s11 =	simm.s32 $0x18B70;
	[tilespmem:s7+$0x0] =	vst v0  }
.LBB2_2:
0x3a: {  	s8 =	sadd.s32 $0x5, s8;
	[tilespmem:s7+$0x10] =	vst v0;
	s0 =	sadd.s32 $0x50, s0;
	s2 =	sadd.s32 $0x50, s2  }
0x3b: {  	p0 =	slt.u32 s8, $0x26C;
	[tilespmem:s6+$0xFFFFFFF0] =	vst v0;
	s6 =	smov.u32 s9  }
0x3c: {  	[tilespmem:s7+$0xFFFFFFF0] =	vst v0;
	s7 =	smov.u32 s11  }
0x3d: {  	[tilespmem:s0+$0x10] =	vst v0  }
0x3e: {  	[tilespmem:s0+$0xFFFFFFF0] =	vst v0  }
0x3f: {  	[tilespmem:s0+$0x0] =	vst v0  }
0x40: {  	[tilespmem:s0+$0xFFFFFFE0] =	vst v0  }
0x41: {  	[tilespmem:s2+$0xFFFFFFE0] =	vst v0  }
0x42: {  	[tilespmem:s9+$0xFFFFFFE0] =	vst v0  }
0x43: {  	[tilespmem:s11+$0xFFFFFFE0] =	vst v0  }
0x44: {  	[tilespmem:s0+$0x20] =	vst v0  }
0x45: {  	[tilespmem:s2+$0x20] =	vst v0  }
0x46: {  	[tilespmem:s9+$0x20] =	vst v0  }
0x47: {  	[tilespmem:s11+$0x20] =	vst v0  }
0x48: {  	[tilespmem:s2+$0x0] =	vst v0  }
.Ltmp0:
0x49: {  	[tilespmem:s9+$0x0] =	vst v0;
	(pc) =	sbr.rel @p0 .LBB2_2-.Ltmp0, $4  }
0x4a: {  	[tilespmem:s2+$0xFFFFFFF0] =	vst v0  }
0x4b: {  	[tilespmem:s11+$0x0] =	vst v0  }
0x4c: {  	[tilespmem:s2+$0x10] =	vst v0  }
0x4d: {  	s31 =	simm.s32 $0x0;
	s9 =	sadd.s32 $0x50, s9;
	s11 =	sadd.s32 $0x50, s11;
	[tilespmem:s6+$0x10] =	vst v0  }
0x4e: {  	[tilespmem:s7+$0x10] =	vst v0  }
0x4f: {  	[tilespmem:s6+$0xFFFFFFF0] =	vst v0  }
0x50: {  	[tilespmem:s7+$0xFFFFFFF0] =	vst v0  }
.LBB2_4:
0x51: {  	s0 =	smul.u32 $0x2710, s31;
	_ =	sdelay $0x1  }
0x52: {  	s0 =	sadd.s32 s10, s0  }
0x53: {  	s0 =	sshrl.u32 s0, $0x3  }
0x54: {  	s2 =	sadd.s32 s3, s0  }
0x55: {  	[tilespmem:s1], [sflag:$0x1] =	stream.linear.gather [hbm4b:s2+s1], $0x2710, $0x38;
	[tilespmem:$0x1B280] =	vst v63  }
0x56: {  	_ =	swait.ge [sflag:s19], $0x2710  }
0x57: {  	[sflag:s19] =	ssyncset.done $0x0  }
0x58: {  	s9 =	sadd.s32 s4, s0;
	[sflag:s19] =	ssyncadd.s32 $0xFFFFD8F0  }
0x59: {  	[tilespmem:s23], [sflag:$0x1] =	stream.linear.gather [hbm4b:s9+s1], $0x2710, $0x38;
	[tilespmem:$0x1B280] =	vst v63  }
0x5a: {  	_ =	swait.ge [sflag:s19], $0x2710  }
0x5b: {  	[sflag:s19] =	ssyncset.done $0x0  }
0x5c: {  	s0 =	sadd.s32 s5, s0;
	[sflag:s19] =	ssyncadd.s32 $0xFFFFD8F0  }
0x5d: {  	[tilespmem:s24], [sflag:$0x1] =	stream.linear.gather [hbm4b:s0+s1], $0x2710, $0x38;
	[tilespmem:$0x1B280] =	vst v63  }
0x5e: {  	_ =	swait.ge [sflag:s19], $0x2710  }
0x5f: {  	[sflag:s19] =	ssyncset.done $0x0  }
0x60: {  	s11 =	simm.s32 $0x20;
	[sflag:s19] =	ssyncadd.s32 $0xFFFFD8F0  }
0x61: {  	v12 =	vld [tilespmem:s11+$0x20]  }
0x62: {  	v1 =	vld [tilespmem:s11+$0xFFFFFFF0]  }
0x63: {  	v2 =	vld [tilespmem:s11+$0x0]  }
0x64: {  	v13 =	vld [tilespmem:s11+$0xFFFFFFE0]  }
0x65: {  	s0 =	simm.s32 $0x27A0;
	v3 =	vld [tilespmem:s11+$0x10]  }
0x66: {  	s2 =	simm.s32 $0x4F20;
	v14 =	vld [tilespmem:s0+$0x20]  }
0x67: {  	v15 =	vld [tilespmem:s2+$0x20]  }
0x68: {  	v11 =	vld [tilespmem:s2+$0xFFFFFFE0]  }
0x69: {  	v5 =	vld [tilespmem:s2+$0xFFFFFFF0]  }
0x6a: {  	v8 =	vld [tilespmem:s0+$0xFFFFFFE0]  }
0x6b: {  	v4 =	vld.idx.msk [tilespmem:v12+s18+$0x0], $0xffff  }
0x6c: {  	v6 =	vld [tilespmem:s0+$0xFFFFFFF0]  }
0x6d: {  	v10 =	vld [tilespmem:s2+$0x0]  }
0x6e: {  	v18 =	vld.idx.msk [tilespmem:v13+s18+$0x0], $0xffff  }
0x6f: {  	v16 =	vld.idx.msk [tilespmem:v1+s18+$0x0], $0xffff  }
0x70: {  	v9 =	vld [tilespmem:s2+$0x10];
	v4 =	vmul.f32 v4, v15  }
0x71: {  	v17 =	vld.idx.msk [tilespmem:v2+s18+$0x0], $0xffff  }
0x72: {  	[tilespmem:v14+s25+$0x0] =	vst.idx.add.f32.msk $0xffff, v4  }
0x73: {  	v18 =	vmul.f32 v18, v11;
	v4 =	vld [tilespmem:s0+$0x0]  }
0x74: {  	v16 =	vmul.f32 v16, v5;
	v7 =	vld.idx.msk [tilespmem:v12+s20+$0x0], $0xffff  }
0x75: {  	[tilespmem:v8+s25+$0x0] =	vst.idx.add.f32.msk $0xffff, v18  }
0x76: {  	[tilespmem:v6+s25+$0x0] =	vst.idx.add.f32.msk $0xffff, v16  }
0x77: {  	v52 =	vld.idx.msk [tilespmem:v13+s20+$0x0], $0xffff  }
0x78: {  	v53 =	vld.idx.msk [tilespmem:v1+s20+$0x0], $0xffff  }
0x79: {  	v20 =	vmul.f32 v7, v15;
	v7 =	vld [tilespmem:s0+$0x10]  }
0x7a: {  	v19 =	vld.idx.msk [tilespmem:v3+s18+$0x0], $0xffff;
	v17 =	vmul.f32 v17, v10  }
0x7b: {  	[tilespmem:v14+s26+$0x0] =	vst.idx.add.f32.msk $0xffff, v20  }
0x7c: {  	v57 =	vmul.f32 v52, v11;
	[tilespmem:v4+s25+$0x0] =	vst.idx.add.f32.msk $0xffff, v17  }
0x7d: {  	v58 =	vmul.f32 v53, v5;
	v20 =	vld.idx.msk [tilespmem:v12+s21+$0x0], $0xffff  }
0x7e: {  	[tilespmem:v8+s26+$0x0] =	vst.idx.add.f32.msk $0xffff, v57  }
0x7f: {  	v51 =	vmul.f32 v19, v9;
	[tilespmem:v6+s26+$0x0] =	vst.idx.add.f32.msk $0xffff, v58  }
0x80: {  	v55 =	vld.idx.msk [tilespmem:v2+s20+$0x0], $0xffff  }
0x81: {  	[tilespmem:v7+s25+$0x0] =	vst.idx.add.f32.msk $0xffff, v51  }
0x82: {  	v54 =	vmul.f32 v20, v15;
	v56 =	vld.idx.msk [tilespmem:v3+s20+$0x0], $0xffff  }
0x83: {  	v60 =	vld.idx.msk [tilespmem:v13+s21+$0x0], $0xffff  }
0x84: {  	[tilespmem:v14+s28+$0x0] =	vst.idx.add.f32.msk $0xffff, v54  }
0x85: {  	v59 =	vmul.f32 v55, v10;
	v12 =	vld.idx.msk [tilespmem:v12+s22+$0x0], $0xffff  }
0x86: {  	v62 =	vld.idx.msk [tilespmem:v1+s21+$0x0], $0xffff  }
0x87: {  	[tilespmem:v4+s26+$0x0] =	vst.idx.add.f32.msk $0xffff, v59;
	v61 =	vmul.f32 v56, v9  }
0x88: {  	v63 =	vld.idx.msk [tilespmem:v2+s21+$0x0], $0xffff  }
0x89: {  	v17 =	vmul.f32 v60, v11;
	[tilespmem:v7+s26+$0x0] =	vst.idx.add.f32.msk $0xffff, v61  }
0x8a: {  	v12 =	vmul.f32 v12, v15;
	v15 =	vld.idx.msk [tilespmem:v3+s21+$0x0], $0xffff  }
0x8b: {  	[tilespmem:v8+s28+$0x0] =	vst.idx.add.f32.msk $0xffff, v17  }
0x8c: {  	[tilespmem:v14+s29+$0x0] =	vst.idx.add.f32.msk $0xffff, v12  }
0x8d: {  	v14 =	vmul.f32 v62, v5;
	v12 =	vld.idx.msk [tilespmem:v13+s22+$0x0], $0xffff;
	_ =	sdelay $0x1  }
0x8e: {  	s6 =	simm.s32 $0x0;
	s7 =	simm.s32 $0x70;
	v13 =	vmul.f32 v63, v10;
	[tilespmem:v6+s28+$0x0] =	vst.idx.add.f32.msk $0xffff, v14;
	v14 =	vmul.f32 v15, v9  }
.LBB2_5:
0x8f: {  	v15 =	vld [tilespmem:s7+$0x20];
	s6 =	sadd.s32 $0x5, s6  }
0x90: {  	v16 =	vld [tilespmem:s7+$0xFFFFFFF0];
	p0 =	slt.u32 s6, $0x26C  }
0x91: {  	v12 =	vmul.f32 v12, v11;
	v17 =	vld [tilespmem:s7+$0x0]  }
0x92: {  	v18 =	vld [tilespmem:s7+$0x10]  }
0x93: {  	v19 =	vld [tilespmem:s7+$0xFFFFFFE0]  }
0x94: {  	[tilespmem:v4+s28+$0x0] =	vst.idx.add.f32.msk $0xffff, v13  }
0x95: {  	s0 =	sadd.s32 $0x50, s0;
	[tilespmem:v7+s28+$0x0] =	vst.idx.add.f32.msk $0xffff, v14  }
0x96: {  	v13 =	vld [tilespmem:s0+$0x20]  }
0x97: {  	s2 =	sadd.s32 $0x50, s2;
	v14 =	vld.idx.msk [tilespmem:v15+s18+$0x0], $0xffff  }
0x98: {  	v20 =	vld [tilespmem:s2+$0x20]  }
0x99: {  	v21 =	vld.idx.msk [tilespmem:v16+s18+$0x0], $0xffff  }
0x9a: {  	v22 =	vld.idx.msk [tilespmem:v17+s18+$0x0], $0xffff  }
0x9b: {  	v23 =	vld.idx.msk [tilespmem:v19+s18+$0x0], $0xffff  }
0x9c: {  	v24 =	vld.idx.msk [tilespmem:v18+s18+$0x0], $0xffff  }
0x9d: {  	v11 =	vld [tilespmem:s2+$0xFFFFFFE0];
	v14 =	vmul.f32 v14, v20  }
0x9e: {  	v25 =	vld [tilespmem:s2+$0xFFFFFFF0]  }
0x9f: {  	[tilespmem:v13+s25+$0x0] =	vst.idx.add.f32.msk $0xffff, v14  }
0xa0: {  	v14 =	vld.idx.msk [tilespmem:v15+s20+$0x0], $0xffff  }
0xa1: {  	v26 =	vld [tilespmem:s2+$0x0]  }
0xa2: {  	v23 =	vmul.f32 v23, v11;
	v27 =	vld [tilespmem:s2+$0x10]  }
0xa3: {  	v28 =	vld [tilespmem:s0+$0xFFFFFFE0];
	v21 =	vmul.f32 v21, v25  }
0xa4: {  	v29 =	vld [tilespmem:s0+$0xFFFFFFF0]  }
0xa5: {  	v30 =	vld [tilespmem:s0+$0x0]  }
0xa6: {  	v14 =	vmul.f32 v14, v20;
	v22 =	vmul.f32 v22, v26;
	v31 =	vld [tilespmem:s0+$0x10]  }
0xa7: {  	v24 =	vmul.f32 v24, v27;
	v32 =	vld.idx.msk [tilespmem:v1+s22+$0x0], $0xffff;
	v1 =	vmov v16  }
0xa8: {  	[tilespmem:v13+s26+$0x0] =	vst.idx.add.f32.msk $0xffff, v14  }
0xa9: {  	v14 =	vld.idx.msk [tilespmem:v15+s21+$0x0], $0xffff  }
0xaa: {  	v16 =	vld.idx.msk [tilespmem:v2+s22+$0x0], $0xffff;
	v2 =	vmov v17  }
0xab: {  	[tilespmem:v28+s25+$0x0] =	vst.idx.add.f32.msk $0xffff, v23  }
0xac: {  	[tilespmem:v29+s25+$0x0] =	vst.idx.add.f32.msk $0xffff, v21  }
0xad: {  	v17 =	vmul.f32 v32, v5;
	v5 =	vmov v25;
	[tilespmem:v30+s25+$0x0] =	vst.idx.add.f32.msk $0xffff, v22  }
0xae: {  	[tilespmem:v31+s25+$0x0] =	vst.idx.add.f32.msk $0xffff, v24  }
0xaf: {  	v14 =	vmul.f32 v14, v20;
	v21 =	vld.idx.msk [tilespmem:v19+s20+$0x0], $0xffff  }
0xb0: {  	v16 =	vmul.f32 v16, v10;
	v10 =	vmov v26;
	v22 =	vld.idx.msk [tilespmem:v1+s20+$0x0], $0xffff  }
0xb1: {  	[tilespmem:v13+s28+$0x0] =	vst.idx.add.f32.msk $0xffff, v14  }
0xb2: {  	v14 =	vld.idx.msk [tilespmem:v15+s22+$0x0], $0xffff  }
0xb3: {  	v15 =	vld.idx.msk [tilespmem:v2+s20+$0x0], $0xffff  }
0xb4: {  	v23 =	vld.idx.msk [tilespmem:v18+s20+$0x0], $0xffff  }
0xb5: {  	v21 =	vmul.f32 v21, v11;
	v24 =	vld.idx.msk [tilespmem:v3+s22+$0x0], $0xffff;
	v3 =	vmov v18  }
0xb6: {  	v18 =	vmul.f32 v22, v5;
	[tilespmem:v8+s29+$0x0] =	vst.idx.add.f32.msk $0xffff, v12;
	v8 =	vmov v28  }
0xb7: {  	[tilespmem:v28+s26+$0x0] =	vst.idx.add.f32.msk $0xffff, v21  }
0xb8: {  	v12 =	vmul.f32 v14, v20;
	[tilespmem:v29+s26+$0x0] =	vst.idx.add.f32.msk $0xffff, v18  }
0xb9: {  	v15 =	vmul.f32 v15, v10;
	v14 =	vld.idx.msk [tilespmem:v19+s21+$0x0], $0xffff  }
0xba: {  	v18 =	vmul.f32 v23, v27;
	[tilespmem:v13+s29+$0x0] =	vst.idx.add.f32.msk $0xffff, v12  }
0xbb: {  	[tilespmem:v30+s26+$0x0] =	vst.idx.add.f32.msk $0xffff, v15;
	v15 =	vmul.f32 v24, v9;
	v9 =	vmov v27  }
0xbc: {  	[tilespmem:v31+s26+$0x0] =	vst.idx.add.f32.msk $0xffff, v18  }
0xbd: {  	v13 =	vld.idx.msk [tilespmem:v1+s21+$0x0], $0xffff  }
0xbe: {  	v18 =	vld.idx.msk [tilespmem:v2+s21+$0x0], $0xffff  }
0xbf: {  	v12 =	vmul.f32 v14, v11;
	v14 =	vld.idx.msk [tilespmem:v3+s21+$0x0], $0xffff  }
0xc0: {  	[tilespmem:v6+s29+$0x0] =	vst.idx.add.f32.msk $0xffff, v17;
	v6 =	vmov v29  }
.Ltmp1:
0xc1: {  	[tilespmem:v28+s28+$0x0] =	vst.idx.add.f32.msk $0xffff, v12;
	(pc) =	sbr.rel @p0 .LBB2_5-.Ltmp1, $4  }
0xc2: {  	v12 =	vld.idx.msk [tilespmem:v19+s22+$0x0], $0xffff  }
0xc3: {  	v17 =	vmul.f32 v13, v5;
	[tilespmem:v4+s29+$0x0] =	vst.idx.add.f32.msk $0xffff, v16;
	v4 =	vmov v30  }
0xc4: {  	v13 =	vmul.f32 v18, v10;
	[tilespmem:v7+s29+$0x0] =	vst.idx.add.f32.msk $0xffff, v15;
	v7 =	vmov v31  }
0xc5: {  	s7 =	sadd.s32 $0x50, s7;
	v14 =	vmul.f32 v14, v9;
	[tilespmem:v29+s28+$0x0] =	vst.idx.add.f32.msk $0xffff, v17  }
0xc6: {  	_ =	sdelay $0x3  }
0xc7: {  	[tilespmem:v4+s28+$0x0] =	vst.idx.add.f32.msk $0xffff, v13  }
0xc8: {  	v1 =	vld.idx.msk [tilespmem:v1+s22+$0x0], $0xffff  }
0xc9: {  	[tilespmem:v7+s28+$0x0] =	vst.idx.add.f32.msk $0xffff, v14  }
0xca: {  	v2 =	vld.idx.msk [tilespmem:v2+s22+$0x0], $0xffff  }
0xcb: {  	v3 =	vld.idx.msk [tilespmem:v3+s22+$0x0], $0xffff  }
0xcc: {  	s31 =	sadd.s32 $0x1, s31  }
0xcd: {  	v11 =	vmul.f32 v12, v11;
	p0 =	sne.s32 s31, $0x8  }
.Ltmp2:
0xce: {  	v1 =	vmul.f32 v1, v5;
	(pc) =	sbr.rel @p0 .LBB2_4-.Ltmp2, $4  }
0xcf: {  	[tilespmem:v8+s29+$0x0] =	vst.idx.add.f32.msk $0xffff, v11;
	v2 =	vmul.f32 v2, v10  }
0xd0: {  	v3 =	vmul.f32 v3, v9;
	[tilespmem:v6+s29+$0x0] =	vst.idx.add.f32.msk $0xffff, v1  }
0xd1: {  	[tilespmem:v4+s29+$0x0] =	vst.idx.add.f32.msk $0xffff, v2  }
0xd2: {  	[tilespmem:v7+s29+$0x0] =	vst.idx.add.f32.msk $0xffff, v3  }
0xd3: {  	s0 =	rddreg [dreg:$0x6]  }
0xd4: {  	[hbm4b:s0+s16] =	stream.strided.scatter [tilespmem:s25], [sflag:$0x1], $0x2780, s17, s16, $0x38;
	[tilespmem:$0x1B280] =	vst v63  }
0xd5: {  	_ =	swait.ge [sflag:s19], $0x2780  }
0xd6: {  	[sflag:s19] =	ssyncset.done $0x0  }
0xd7: {  	[sflag:s19] =	ssyncadd.s32 $0xFFFFD880  }
0xd8: {  	[hbm4b:s12+s16] =	stream.strided.scatter [tilespmem:s26], [sflag:$0x1], $0x2780, s17, s16, $0x38;
	[tilespmem:$0x1B280] =	vst v63  }
0xd9: {  	_ =	swait.ge [sflag:s19], $0x2780  }
0xda: {  	[sflag:s19] =	ssyncset.done $0x0  }
0xdb: {  	[sflag:s19] =	ssyncadd.s32 $0xFFFFD880  }
0xdc: {  	[hbm4b:s13+s16] =	stream.strided.scatter [tilespmem:s28], [sflag:$0x1], $0x2780, s17, s16, $0x38;
	[tilespmem:$0x1B280] =	vst v63  }
0xdd: {  	s30 =	sadd.s32 $0x1, s30;
	_ =	swait.ge [sflag:s19], $0x2780  }
0xde: {  	p0 =	sne.s32 s30, s15;
	[sflag:s19] =	ssyncset.done $0x0  }
.Ltmp3:
0xdf: {  	[sflag:s19] =	ssyncadd.s32 $0xFFFFD880;
	(pc) =	sbr.rel @p0 .LBB2_1-.Ltmp3, $4  }
0xe0: {  	[hbm4b:s14+s16] =	stream.strided.scatter [tilespmem:s29], [sflag:$0x1], $0x2780, s17, s16, $0x38;
	[tilespmem:$0x1B280] =	vst v63  }
0xe1: {  	_ =	swait.ge [sflag:s19], $0x2780  }
0xe2: {  	[sflag:s19] =	ssyncset.done $0x0  }
0xe3: {  	[sflag:s19] =	ssyncadd.s32 $0xFFFFD880  }
0xe4: {  	_ =	sfence.sel $0x180000  }
0xe5: {  	[bflag:$0x0] =	sbarrier.arrive $0xFFFF  }
0xe6: {  	_ =	strace $0x9000004D  }
0xe7: {  	s0 =	stileid.u32;
	[bflag:$0x2] =	sbarrier.arrive $0xFFFF  }
0xe8: {  	p0 =	sne.s32 s0, $0x0;
	s0 =	rddreg [dreg:$0x1]  }
0xe9: {  	s0 =	sadd.s32 @!p0 $0x100000, s0  }
0xea: {  	[sflag:s0] =	ssyncadd.tile.s32 @!p0 $0x1;
	_ =	shalt  }
.Lfunc_end2:
_tile_overlayer_lowered:
.L_overlay_start_2:
0xeb: {  	(tag) =	ssettag $0x2  }
0xec: {  	s0 =	rddreg [dreg:$0x0];
	s2 =	stileid.u32  }
0xed: {  	s1 =	rddreg [dreg:$0x1];
	p0 =	sne.s32 s2, $0x0  }
0xee: {  	s3 =	rddreg [dreg:$0x2];
	[bflag:$0x3] =	sbarrier.arrive $0xFFFF;
	s2 =	simm.s32 @!p0 $0x1C01  }
0xef: {  	[timem:s3], [sflag:s2] =	dma.local @!p0 [hbm:s0], s1  }
0xf0: {  	s0 =	simm.s32 @!p0 $0x1  }
0xf1: {  	_ =	swait.ge @!p0 [sflag:s0], s1  }
0xf2: {  	s1 =	ssub.s32 @!p0 $0x0, s1;
	[sflag:s0] =	ssyncset.done @!p0 $0x0  }
0xf3: {  	[sflag:s0] =	ssyncadd.s32 @!p0 s1  }
0xf4: {  	[bflag:$0x3] =	sbarrier.arrive $0xFFFF  }
0xf5: {  	_ =	shalt  }

// kernel: kernel.18.cloned.1.call-start
scs
__scs_entry_jumppad:
0x0: {  	(pc) =	sbr.rel $0x88, $3  }
0x1: {  	(tag) =	ssettag $0x0;
	lr =	simm.s32 $0x1  }
0x2: {  	[smem:$0x3F9A] =	sst lr;
	_ =	strace $0xD0000000  }
0x3: {  	_ = 	snop  }
0x4: {  	_ = 	snop  }
0x5: {  	_ = 	snop  }
0x6: {  	_ = 	snop  }
0x7: {  	_ = 	snop  }
__scs_overlays_trampoline_lowered:
0x8: {  	[smem:$0x3FA9] =	sst s0  }
0x9: {  	[smem:$0x3FAA] =	sst s1  }
0xa: {  	[smem:$0x3FAB] =	sst s2  }
0xb: {  	[smem:$0x3FAC] =	sst s3  }
0xc: {  	[smem:$0x3FAD] =	sst s4  }
0xd: {  	[smem:$0x3FAE] =	sst s5  }
0xe: {  	[smem:$0x3FAF] =	sst s6  }
0xf: {  	[smem:$0x3FB0] =	sst s7  }
0x10: {  	[smem:$0x3FB1] =	sst s8  }
0x11: {  	[smem:$0x3FB2] =	sst s9;
	s0 =	simm.s32 @!p0 $0x0  }
0x12: {  	s1 =	sld [smem:$0x3F98];
	s0 =	simm.s32 @p0 $0x1  }
0x13: {  	[smem:$0x3FB3] =	sst s0;
	s0 =	simm.s32 @!p1 $0x0  }
0x14: {  	s2 =	sld [smem:$0x3F97];
	s0 =	simm.s32 @p1 $0x1  }
0x15: {  	[smem:$0x3FB4] =	sst s0;
	s0 =	simm.s32 @!p2 $0x0  }
0x16: {  	s3 =	sld [smem:$0x3FDB];
	s0 =	simm.s32 @p2 $0x1  }
0x17: {  	s4 =	simm.s32 $0x1BF5;
	[smem:$0x3FB6] =	sst s0  }
0x18: {  	s0 =	sld [smem:$0x3F99];
	_ =	swait.ge [sflag:s4], $0x0  }
0x19: {  	s7 =	sld [smem:$0x3F9A]  }
0x1a: {  	s8 =	sadd.s32 $0xFFFFE003, lr  }
0x1b: {  	s9 =	sadd.s32 $0xFFFFFEF7, lr;
	s5 =	simm.s32 $0xFFFFFFFF;
	p2 =	slt.u32 s8, $0xFFFFF086  }
0x1c: {  	p1 =	slt.u32 s9, $0xF7A;
	s5 =	simm.s32 @!p2 $0x0  }
0x1d: {  	s5 =	simm.s32 @p1 $0x1;
	p0 =	seq.s32 s7, s2  }
0x1e: {  	s7 =	smul.u32 @!p0 $0xF7A, s2;
	p2 =	seq.s32 @!p0 s5, $0x0  }
0x1f: {  	s9 =	smul.u32 $0xF7A, s1;
	s8 =	simm.s32 @!p0 $0x1BF5;
	p2 =	por !p2, p0  }
0x20: {  	[sflag:s8] =	ssyncset.s32 @!p0 $0xFFFFF086;
	s6 =	sadd.s32 @!p0 s3, s7;
	s7 =	simm.s32 @!p0 $0x108  }
0x21: {  	s3 =	sadd.s32 s3, s9;
	s6 =	sadd.s32 @!p0 $0x88, s6;
	s7 =	simm.s32 @p2 $0x1082  }
0x22: {  	[simem:s7], [sflag:s8] =	dma.local @!p0 [hbm:s6], $0xF7A  }
0x23: {  	s9 =	sor.u32 $0xD0000000, s2;
	s6 =	simm.s32 $0x108;
	_ =	swait.ge @!p0 [sflag:s8], $0x0  }
0x24: {  	s3 =	sadd.s32 $0x88, s3;
	s6 =	simm.s32 @!p1 $0x1082;
	[sflag:s4] =	ssyncset.s32 $0xFFFFF086  }
0x25: {  	[simem:s6], [sflag:s4] =	dma.local [hbm:s3], $0xF7A  }
0x26: {  	[smem:$0x3F9A] =	sst s1;
	(tag) =	ssettag s2;
	_ =	strace s9  }
0x27: {  	s1 =	sld [smem:$0x3FAA]  }
0x28: {  	s2 =	sld [smem:$0x3FAB]  }
0x29: {  	s4 =	sld [smem:$0x3FAD]  }
0x2a: {  	p0 =	seq.s32 s5, $0x0;
	s5 =	sld [smem:$0x3FAE]  }
0x2b: {  	s6 =	sld [smem:$0x3FAF]  }
0x2c: {  	s7 =	sld [smem:$0x3FB0]  }
0x2d: {  	s3 =	simm.s32 $0x108;
	s8 =	sld [smem:$0x3FB1]  }
0x2e: {  	s3 =	simm.s32 @!p0 $0x1082;
	s9 =	sld [smem:$0x3FB2]  }
0x2f: {  	lr =	sadd.s32 s0, s3;
	s0 =	sld [smem:$0x3FA9]  }
0x30: {  	s3 =	sld [smem:$0x3FAC]  }
0x31: {  	[smem:$0x3FB5] =	sst s10  }
0x32: {  	s10 =	sld [smem:$0x3FB3];
	_ =	sdelay $0x3  }
0x33: {  	p0 =	seq.s32 s10, $0x1;
	s10 =	sld [smem:$0x3FB5];
	_ =	sdelay $0x3  }
0x34: {  	[smem:$0x3FB5] =	sst s10  }
0x35: {  	s10 =	sld [smem:$0x3FB4];
	_ =	sdelay $0x3  }
0x36: {  	p1 =	seq.s32 s10, $0x1;
	s10 =	sld [smem:$0x3FB5];
	_ =	sdelay $0x3  }
0x37: {  	[smem:$0x3FB5] =	sst s10  }
0x38: {  	s10 =	sld [smem:$0x3FB6]  }
0x39: {  	_ = 	snop;
	(pc) =	sbr.ind lr, $3  }
0x3a: {  	_ = 	snop  }
0x3b: {  	_ = 	snop  }
0x3c: {  	p2 =	seq.s32 s10, $0x1;
	s10 =	sld [smem:$0x3FB5]  }
0x3d: {  	_ =	shalt  }
0x3e: {  	_ =	shalt  }
0x3f: {  	_ =	shalt  }
0x40: {  	_ =	shalt  }
0x41: {  	_ =	shalt  }
0x42: {  	_ =	shalt  }
0x43: {  	_ =	shalt  }
0x44: {  	_ =	shalt  }
0x45: {  	_ =	shalt  }
0x46: {  	_ =	shalt  }
0x47: {  	_ =	shalt  }
0x48: {  	_ =	shalt  }
0x49: {  	_ =	shalt  }
0x4a: {  	_ =	shalt  }
0x4b: {  	_ =	shalt  }
0x4c: {  	_ =	shalt  }
0x4d: {  	_ =	shalt  }
0x4e: {  	_ =	shalt  }
0x4f: {  	_ =	shalt  }
0x50: {  	_ =	shalt  }
0x51: {  	_ =	shalt  }
0x52: {  	_ =	shalt  }
0x53: {  	_ =	shalt  }
0x54: {  	_ =	shalt  }
0x55: {  	_ =	shalt  }
0x56: {  	_ =	shalt  }
0x57: {  	_ =	shalt  }
0x58: {  	_ =	shalt  }
0x59: {  	_ =	shalt  }
0x5a: {  	_ =	shalt  }
0x5b: {  	_ =	shalt  }
0x5c: {  	_ =	shalt  }
0x5d: {  	_ =	shalt  }
0x5e: {  	_ =	shalt  }
0x5f: {  	_ =	shalt  }
0x60: {  	_ =	shalt  }
0x61: {  	_ =	shalt  }
0x62: {  	_ =	shalt  }
0x63: {  	_ =	shalt  }
0x64: {  	_ =	shalt  }
0x65: {  	_ =	shalt  }
0x66: {  	_ =	shalt  }
0x67: {  	_ =	shalt  }
0x68: {  	_ =	shalt  }
0x69: {  	_ =	shalt  }
0x6a: {  	_ =	shalt  }
0x6b: {  	_ =	shalt  }
0x6c: {  	_ =	shalt  }
0x6d: {  	_ =	shalt  }
0x6e: {  	_ =	shalt  }
0x6f: {  	_ =	shalt  }
0x70: {  	_ =	shalt  }
0x71: {  	_ =	shalt  }
0x72: {  	_ =	shalt  }
0x73: {  	_ =	shalt  }
0x74: {  	_ =	shalt  }
0x75: {  	_ =	shalt  }
0x76: {  	_ =	shalt  }
0x77: {  	_ =	shalt  }
0x78: {  	_ =	shalt  }
0x79: {  	_ =	shalt  }
0x7a: {  	_ =	shalt  }
0x7b: {  	_ =	shalt  }
0x7c: {  	_ =	shalt  }
0x7d: {  	_ =	shalt  }
0x7e: {  	_ =	shalt  }
0x7f: {  	_ =	shalt  }
0x80: {  	_ =	shalt  }
0x81: {  	_ =	shalt  }
0x82: {  	_ =	shalt  }
0x83: {  	_ =	shalt  }
0x84: {  	_ =	shalt  }
0x85: {  	_ =	shalt  }
0x86: {  	_ =	shalt  }
0x87: {  	_ =	shalt  }
.Lfunc_end0:
.L_simem_size_0:
called_computation.3_lowered:
.L_overlay_start_0:
0x88: {  	s2 =	sld [smem:$0x3FD9]  }
0x89: {  	s3 =	sld [smem:$0x3FFE];
	_ =	sdelay $0x1  }
0x8a: {  	s1 =	srdreg.scid  }
0x8b: {  	s0 =	sand.u32 $0x1, s1  }
0x8c: {  	s17 =	sshll.u32 s0, $0xA;
	s2 =	sadd.s32 s3, s2  }
0x8d: {  	s2 =	sadd.s32 s2, s17  }
0x8e: {  	[smem:$0x3FC1] =	sst s2  }
0x8f: {  	_ = 	snop  }
0x90: {  	s2 =	sld [smem:$0x3FD0];
	(tm) =	ssettm $0x1  }
0x91: {  	s18 =	sld [smem:$0x3FFB];
	_ =	sdelay $0x3  }
0x92: {  	_ =	strace s18  }
0x93: {  	s3 =	sld [smem:$0x3FFC];
	_ =	sdelay $0x3  }
0x94: {  	_ =	strace s3  }
0x95: {  	s3 =	sld [smem:$0x3FFD];
	_ =	sdelay $0x3  }
0x96: {  	_ =	strace s3  }
0x97: {  	_ =	strace $0x8FFFFFFF  }
0x98: {  	s19 =	sld [smem:$0x3FDB];
	_ =	sdelay $0x1  }
0x99: {  	s4 =	simm.s32 $_scs_section_size  }
0x9a: {  	s5 =	simm.s32 $_size__tile_overlayer_lowered;
	s6 =	simm.s32 $_tile_overlayer_lowered  }
0x9b: {  	s22 =	simm.s32 $0x1BFF;
	s21 =	sshll.u32 s6, $0x1;
	s3 =	sadd.s32 s4, s19  }
0x9c: {  	s7 =	simm.s32 $0x0;
	s20 =	sshll.u32 s5, $0x1;
	s5 =	sadd.s32 s21, s3  }
0x9d: {  	[timem:s7], [sflag:s22] =	dma.local [hbm:s5], s20  }
0x9e: {  	_ =	swait.ge [sflag:s22], s20  }
0x9f: {  	s4 =	ssub.s32 $0x0, s20;
	[sflag:s22] =	ssyncset.done $0x0  }
0xa0: {  	[sflag:s22] =	ssyncadd.s32 s4;
	_ =	sdelay $0x1  }
0xa1: {  	s23 =	simm.s32 $0x1B8B  }
0xa2: {  	_ =	swait.ge [sflag:s23], $0x1  }
0xa3: {  	[sflag:s23] =	ssyncset.done $0x0  }
0xa4: {  	s25 =	simm.s32 $0x1B8E;
	s24 =	sld [smem:$0x3FFE];
	[sflag:s23] =	ssyncadd.s32 $0xFFFFFFFF  }
0xa5: {  	s26 =	simm.s32 $execute0_lowered;
	[smem:$0x3FD2] =	sst s25  }
0xa6: {  	s5 =	sshll.u32 s26, $0x1;
	_ =	strace $0x8000004F;
	[dreg:$0x1] =	wrdreg $0xFFFFFFFF  }
0xa7: {  	s28 =	simm.s32 $_size_execute0_lowered;
	s3 =	sadd.s32 s3, s5;
	[dreg:$0x0] =	wrdreg $0x0  }
0xa8: {  	s5 =	sshll.u32 s28, $0x1;
	[dreg:$0x2] =	wrdreg s3  }
0xa9: {  	[dreg:$0x3] =	wrdreg s5  }
0xaa: {  	[dreg:$0x4] =	wrdreg $0xC0  }
0xab: {  	_ =	task [dreg:s7], $0x5FFFF  }
0xac: {  	[dreg:$0x1] =	wrdreg $0xFFFFFFFF  }
0xad: {  	[dreg:$0x0] =	wrdreg $0x60  }
0xae: {  	[dreg:$0x2] =	wrdreg s24  }
0xaf: {  	[dreg:$0x3] =	wrdreg s2  }
0xb0: {  	[dreg:$0x4] =	wrdreg $0x9  }
0xb1: {  	_ =	task.clear_ibuf [dreg:s7], $0x5FFFF;
	_ =	strace $0x9000004F  }
0xb2: {  	s29 =	simm.s32 $0x9;
	_ =	strace $0x80000051  }
0xb3: {  	_ =	swait.ge [sflag:s29], $0x1  }
0xb4: {  	[sflag:s29] =	ssyncadd.s32 $0xFFFFFFFF  }
0xb5: {  	_ =	strace $0x90000051  }
0xb6: {  	_ =	sfence  }
0xb7: {  	s30 =	sld [smem:$0x0];
	_ =	sdelay $0x2  }
0xb8: {  	s31 =	sshll.u32 s1, $0xD;
	s1 =	sshrl.u32 s1, $0x2  }
0xb9: {  	s3 =	sand.u32 $0x4000, s31;
	s1 =	sadd.s32 s1, s30  }
0xba: {  	s0 =	sor.u32 s3, s0;
	s1 =	sshll.u32 s1, $0x11  }
0xbb: {  	s0 =	sor.u32 s1, s0  }
0xbc: {  	s0 =	sadd.s32 $0x8F2B, s0  }
0xbd: {  	[sflag:s0] =	ssyncadd.remote.s32 $0x1  }
0xbe: {  	_ =	sfence.sel $0xFFFF  }
0xbf: {  	[dreg:$0x0] =	wrdreg $0xFFFFFFFF;
	(pc) =	sbr.abs _section_cstart, $3  }
0xc0: {  	[dreg:$0x1] =	wrdreg $0xFFFFFFFF  }
0xc1: {  	_ =	task.clear_ibuf [dreg:s7], $0x2FFFF;
	_ =	strace $0x9FFFFFFF  }
0xc2: {  	(tm) =	ssettm $0x7FFFFFFF  }
0xc3: {  	_ =	shalt  }
tec
execute0_lowered:
.L_overlay_start_1:
0x0: {  	(tag) =	ssettag $0x1  }
0x1: {  	s0 =	rddreg [dreg:$0x0]  }
0x2: {  	s2 =	rddreg [dreg:$0x1]  }
0x3: {  	s1 =	simm.s32 $0x0;
	s6 =	srdreg.scid;
	s11 =	stileid.u32  }
0x4: {  	s17 =	simm.s32 $0x80;
	s18 =	simm.s32 $0x400;
	s28 =	simm.s32 $0x16380  }
0x5: {  	s29 =	simm.s32 $0x18B00;
	s30 =	simm.s32 $0x0;
	[smem:$0x7FF] =	sst s1  }
0x6: {  	s3 =	sadd.s32 $0xCA00, s0;
	s4 =	sadd.s32 $0x2C00, s0;
	s5 =	sadd.s32 $0x20600, s0  }
0x7: {  	s6 =	sand.u32 $0x1, s6;
	s7 =	sand.u32 $0x1, s11;
	s0 =	sadd.s32 $0x2A400, s0  }
0x8: {  	s19 =	sshrl.u32 s11, $0x1;
	_ =	strace $0x80000050;
	s8 =	ssub.s32 $0x2, s6  }
0x9: {  	p0 =	seq.s32 s7, $0x1;
	s7 =	simm.s32 $0x13C00;
	s10 =	sshll.u32 s6, $0x9  }
0xa: {  	s14 =	smul.u32 $0x27800, s19;
	s9 =	sshrl.u32 s8, $0x1;
	s7 =	simm.s32 @!p0 $0x0  }
0xb: {  	s12 =	sor.u32 $0x80, s10;
	s13 =	sor.u32 $0x100, s10;
	s15 =	sor.u32 $0x180, s10  }
0xc: {  	s8 =	ssub.s32 s8, s9;
	s6 =	sor.u32 s10, s7;
	s21 =	sor.u32 s12, s7  }
0xd: {  	s22 =	sor.u32 s13, s7;
	s16 =	sor.u32 s15, s7;
	s7 =	sadd.s32 s7, s14  }
0xe: {  	s20 =	sshrl.u32 s6, $0x3;
	s6 =	simm.s32 $0x13C00;
	s23 =	sshrl.u32 s16, $0x3  }
0xf: {  	s10 =	sor.u32 s10, s7;
	s25 =	sor.u32 s12, s7;
	s26 =	sor.u32 s13, s7  }
0x10: {  	s7 =	sor.u32 s15, s7;
	s16 =	smax.u32 s8, $0x1;
	s11 =	sadd.s32 s2, s20  }
0x11: {  	s24 =	sshrl.u32 s10, $0x3;
	s9 =	sshrl.u32 s26, $0x3;
	s31 =	sshrl.u32 s7, $0x3  }
0x12: {  	s20 =	simm.s32 $0x1;
	[dreg:$0x3] =	wrdreg s11;
	s11 =	sshrl.u32 s21, $0x3  }
0x13: {  	s26 =	simm.s32 $0x11480;
	s14 =	sadd.s32 s0, s9;
	s11 =	sadd.s32 s2, s11  }
0x14: {  	s15 =	sadd.s32 s0, s31;
	[dreg:$0x4] =	wrdreg s11;
	s11 =	sshrl.u32 s22, $0x3  }
0x15: {  	s21 =	simm.s32 $0x9E00;
	s22 =	simm.s32 $0xC580;
	s11 =	sadd.s32 s2, s11  }
0x16: {  	s2 =	sadd.s32 s2, s23;
	s23 =	simm.s32 $0xED00;
	[dreg:$0x5] =	wrdreg s11  }
0x17: {  	[dreg:$0x6] =	wrdreg s2;
	s11 =	smul.u32 $0x9C40, s19;
	s2 =	sadd.s32 s0, s24  }
0x18: {  	s19 =	simm.s32 $0x7680;
	[dreg:$0x7] =	wrdreg s2;
	s2 =	sshrl.u32 s25, $0x3  }
0x19: {  	v0 =	vimm.f32 $0.0e+00;
	s24 =	simm.s32 $0x2780;
	s25 =	simm.s32 $0x4F00;
	s13 =	sadd.s32 s0, s2  }
.LBB2_1:
0x1a: {  	s0 =	rddreg [dreg:$0x3]  }
0x1b: {  	[tilespmem:s19], [sflag:$0x1] =	stream.strided.gather [hbm4b:s0+s17], $0x2780, s18, s17, $0x38;
	[tilespmem:$0x1B280] =	vst v63  }
0x1c: {  	_ =	swait.ge [sflag:s20], $0x2780  }
0x1d: {  	[sflag:s20] =	ssyncset.done $0x0  }
0x1e: {  	s10 =	rddreg [dreg:$0x4];
	[sflag:s20] =	ssyncadd.s32 $0xFFFFD880  }
0x1f: {  	[tilespmem:s21], [sflag:$0x1] =	stream.strided.gather [hbm4b:s10+s17], $0x2780, s18, s17, $0x38;
	[tilespmem:$0x1B280] =	vst v63  }
0x20: {  	_ =	swait.ge [sflag:s20], $0x2780  }
0x21: {  	[sflag:s20] =	ssyncset.done $0x0  }
0x22: {  	s12 =	rddreg [dreg:$0x5];
	[sflag:s20] =	ssyncadd.s32 $0xFFFFD880  }
0x23: {  	[tilespmem:s22], [sflag:$0x1] =	stream.strided.gather [hbm4b:s12+s17], $0x2780, s18, s17, $0x38;
	[tilespmem:$0x1B280] =	vst v63  }
0x24: {  	_ =	swait.ge [sflag:s20], $0x2780  }
0x25: {  	[sflag:s20] =	ssyncset.done $0x0  }
0x26: {  	s31 =	rddreg [dreg:$0x6];
	[sflag:s20] =	ssyncadd.s32 $0xFFFFD880  }
0x27: {  	[tilespmem:s23], [sflag:$0x1] =	stream.strided.gather [hbm4b:s31+s17], $0x2780, s18, s17, $0x38;
	[tilespmem:$0x1B280] =	vst v63  }
0x28: {  	_ =	swait.ge [sflag:s20], $0x2780  }
0x29: {  	[sflag:s20] =	ssyncset.done $0x0  }
0x2a: {  	s0 =	simm.s32 $0x114A0;
	[sflag:s20] =	ssyncadd.s32 $0xFFFFD880  }
0x2b: {  	[tilespmem:s0+$0x10] =	vst v0  }
0x2c: {  	[tilespmem:s0+$0xFFFFFFF0] =	vst v0  }
0x2d: {  	[tilespmem:s0+$0x0] =	vst v0  }
0x2e: {  	[tilespmem:s0+$0xFFFFFFE0] =	vst v0  }
0x2f: {  	s2 =	simm.s32 $0x13C20;
	[tilespmem:s0+$0x20] =	vst v0  }
0x30: {  	[tilespmem:s2+$0xFFFFFFE0] =	vst v0  }
0x31: {  	[tilespmem:s2+$0x20] =	vst v0  }
0x32: {  	[tilespmem:s2+$0x0] =	vst v0  }
0x33: {  	[tilespmem:s2+$0xFFFFFFF0] =	vst v0  }
0x34: {  	s7 =	simm.s32 $0x163A0;
	[tilespmem:s2+$0x10] =	vst v0  }
0x35: {  	[tilespmem:s7+$0xFFFFFFE0] =	vst v0  }
0x36: {  	[tilespmem:s7+$0x20] =	vst v0  }
0x37: {  	[tilespmem:s7+$0x0] =	vst v0  }
0x38: {  	s8 =	simm.s32 $0x18B20;
	[tilespmem:s7+$0x10] =	vst v0  }
0x39: {  	[tilespmem:s8+$0xFFFFFFE0] =	vst v0  }
0x3a: {  	[tilespmem:s8+$0x20] =	vst v0  }
0x3b: {  	s9 =	simm.s32 $0x0;
	s10 =	simm.s32 $0x163F0;
	s12 =	simm.s32 $0x18B70;
	[tilespmem:s8+$0x0] =	vst v0  }
.LBB2_2:
0x3c: {  	s9 =	sadd.s32 $0x5, s9;
	[tilespmem:s8+$0x10] =	vst v0;
	s0 =	sadd.s32 $0x50, s0;
	s2 =	sadd.s32 $0x50, s2  }
0x3d: {  	p0 =	slt.u32 s9, $0x26C;
	[tilespmem:s7+$0xFFFFFFF0] =	vst v0;
	s7 =	smov.u32 s10  }
0x3e: {  	[tilespmem:s8+$0xFFFFFFF0] =	vst v0;
	s8 =	smov.u32 s12  }
0x3f: {  	[tilespmem:s0+$0x10] =	vst v0  }
0x40: {  	[tilespmem:s0+$0xFFFFFFF0] =	vst v0  }
0x41: {  	[tilespmem:s0+$0x0] =	vst v0  }
0x42: {  	[tilespmem:s0+$0xFFFFFFE0] =	vst v0  }
0x43: {  	[tilespmem:s2+$0xFFFFFFE0] =	vst v0  }
0x44: {  	[tilespmem:s10+$0xFFFFFFE0] =	vst v0  }
0x45: {  	[tilespmem:s12+$0xFFFFFFE0] =	vst v0  }
0x46: {  	[tilespmem:s0+$0x20] =	vst v0  }
0x47: {  	[tilespmem:s2+$0x20] =	vst v0  }
0x48: {  	[tilespmem:s10+$0x20] =	vst v0  }
0x49: {  	[tilespmem:s12+$0x20] =	vst v0  }
0x4a: {  	[tilespmem:s2+$0x0] =	vst v0  }
.Ltmp0:
0x4b: {  	[tilespmem:s10+$0x0] =	vst v0;
	(pc) =	sbr.rel @p0 .LBB2_2-.Ltmp0, $4  }
0x4c: {  	[tilespmem:s2+$0xFFFFFFF0] =	vst v0  }
0x4d: {  	[tilespmem:s12+$0x0] =	vst v0  }
0x4e: {  	[tilespmem:s2+$0x10] =	vst v0  }
0x4f: {  	s31 =	simm.s32 $0x0;
	s10 =	sadd.s32 $0x50, s10;
	s12 =	sadd.s32 $0x50, s12;
	[tilespmem:s7+$0x10] =	vst v0  }
0x50: {  	[tilespmem:s8+$0x10] =	vst v0  }
0x51: {  	[tilespmem:s7+$0xFFFFFFF0] =	vst v0  }
0x52: {  	[tilespmem:s8+$0xFFFFFFF0] =	vst v0  }
.LBB2_4:
0x53: {  	s0 =	smul.u32 $0x2710, s31;
	_ =	sdelay $0x1  }
0x54: {  	s0 =	sadd.s32 s11, s0  }
0x55: {  	s0 =	sshrl.u32 s0, $0x3  }
0x56: {  	s2 =	sadd.s32 s3, s0  }
0x57: {  	[tilespmem:s1], [sflag:$0x1] =	stream.linear.gather [hbm4b:s2+s1], $0x2710, $0x38;
	[tilespmem:$0x1B280] =	vst v63  }
0x58: {  	_ =	swait.ge [sflag:s20], $0x2710  }
0x59: {  	[sflag:s20] =	ssyncset.done $0x0  }
0x5a: {  	s10 =	sadd.s32 s4, s0;
	[sflag:s20] =	ssyncadd.s32 $0xFFFFD8F0  }
0x5b: {  	[tilespmem:s24], [sflag:$0x1] =	stream.linear.gather [hbm4b:s10+s1], $0x2710, $0x38;
	[tilespmem:$0x1B280] =	vst v63  }
0x5c: {  	_ =	swait.ge [sflag:s20], $0x2710  }
0x5d: {  	[sflag:s20] =	ssyncset.done $0x0  }
0x5e: {  	s0 =	sadd.s32 s5, s0;
	[sflag:s20] =	ssyncadd.s32 $0xFFFFD8F0  }
0x5f: {  	[tilespmem:s25], [sflag:$0x1] =	stream.linear.gather [hbm4b:s0+s1], $0x2710, $0x38;
	[tilespmem:$0x1B280] =	vst v63  }
0x60: {  	_ =	swait.ge [sflag:s20], $0x2710  }
0x61: {  	[sflag:s20] =	ssyncset.done $0x0  }
0x62: {  	s12 =	simm.s32 $0x20;
	[sflag:s20] =	ssyncadd.s32 $0xFFFFD8F0  }
0x63: {  	v12 =	vld [tilespmem:s12+$0x20]  }
0x64: {  	v1 =	vld [tilespmem:s12+$0xFFFFFFF0]  }
0x65: {  	v2 =	vld [tilespmem:s12+$0x0]  }
0x66: {  	v13 =	vld [tilespmem:s12+$0xFFFFFFE0]  }
0x67: {  	s0 =	simm.s32 $0x27A0;
	v3 =	vld [tilespmem:s12+$0x10]  }
0x68: {  	s2 =	simm.s32 $0x4F20;
	v14 =	vld [tilespmem:s0+$0x20]  }
0x69: {  	v15 =	vld [tilespmem:s2+$0x20]  }
0x6a: {  	v11 =	vld [tilespmem:s2+$0xFFFFFFE0]  }
0x6b: {  	v5 =	vld [tilespmem:s2+$0xFFFFFFF0]  }
0x6c: {  	v8 =	vld [tilespmem:s0+$0xFFFFFFE0]  }
0x6d: {  	v4 =	vld.idx.msk [tilespmem:v12+s19+$0x0], $0xffff  }
0x6e: {  	v6 =	vld [tilespmem:s0+$0xFFFFFFF0]  }
0x6f: {  	v10 =	vld [tilespmem:s2+$0x0]  }
0x70: {  	v18 =	vld.idx.msk [tilespmem:v13+s19+$0x0], $0xffff  }
0x71: {  	v16 =	vld.idx.msk [tilespmem:v1+s19+$0x0], $0xffff  }
0x72: {  	v9 =	vld [tilespmem:s2+$0x10];
	v4 =	vmul.f32 v4, v15  }
0x73: {  	v17 =	vld.idx.msk [tilespmem:v2+s19+$0x0], $0xffff  }
0x74: {  	[tilespmem:v14+s26+$0x0] =	vst.idx.add.f32.msk $0xffff, v4  }
0x75: {  	v18 =	vmul.f32 v18, v11;
	v4 =	vld [tilespmem:s0+$0x0]  }
0x76: {  	v16 =	vmul.f32 v16, v5;
	v7 =	vld.idx.msk [tilespmem:v12+s21+$0x0], $0xffff  }
0x77: {  	[tilespmem:v8+s26+$0x0] =	vst.idx.add.f32.msk $0xffff, v18  }
0x78: {  	[tilespmem:v6+s26+$0x0] =	vst.idx.add.f32.msk $0xffff, v16  }
0x79: {  	v52 =	vld.idx.msk [tilespmem:v13+s21+$0x0], $0xffff  }
0x7a: {  	v53 =	vld.idx.msk [tilespmem:v1+s21+$0x0], $0xffff  }
0x7b: {  	v20 =	vmul.f32 v7, v15;
	v7 =	vld [tilespmem:s0+$0x10]  }
0x7c: {  	v19 =	vld.idx.msk [tilespmem:v3+s19+$0x0], $0xffff;
	v17 =	vmul.f32 v17, v10  }
0x7d: {  	[tilespmem:v14+s6+$0x0] =	vst.idx.add.f32.msk $0xffff, v20  }
0x7e: {  	v57 =	vmul.f32 v52, v11;
	[tilespmem:v4+s26+$0x0] =	vst.idx.add.f32.msk $0xffff, v17  }
0x7f: {  	v58 =	vmul.f32 v53, v5;
	v20 =	vld.idx.msk [tilespmem:v12+s22+$0x0], $0xffff  }
0x80: {  	[tilespmem:v8+s6+$0x0] =	vst.idx.add.f32.msk $0xffff, v57  }
0x81: {  	v51 =	vmul.f32 v19, v9;
	[tilespmem:v6+s6+$0x0] =	vst.idx.add.f32.msk $0xffff, v58  }
0x82: {  	v55 =	vld.idx.msk [tilespmem:v2+s21+$0x0], $0xffff  }
0x83: {  	[tilespmem:v7+s26+$0x0] =	vst.idx.add.f32.msk $0xffff, v51  }
0x84: {  	v54 =	vmul.f32 v20, v15;
	v56 =	vld.idx.msk [tilespmem:v3+s21+$0x0], $0xffff  }
0x85: {  	v60 =	vld.idx.msk [tilespmem:v13+s22+$0x0], $0xffff  }
0x86: {  	[tilespmem:v14+s28+$0x0] =	vst.idx.add.f32.msk $0xffff, v54  }
0x87: {  	v59 =	vmul.f32 v55, v10;
	v12 =	vld.idx.msk [tilespmem:v12+s23+$0x0], $0xffff  }
0x88: {  	v62 =	vld.idx.msk [tilespmem:v1+s22+$0x0], $0xffff  }
0x89: {  	[tilespmem:v4+s6+$0x0] =	vst.idx.add.f32.msk $0xffff, v59;
	v61 =	vmul.f32 v56, v9  }
0x8a: {  	v63 =	vld.idx.msk [tilespmem:v2+s22+$0x0], $0xffff  }
0x8b: {  	v17 =	vmul.f32 v60, v11;
	[tilespmem:v7+s6+$0x0] =	vst.idx.add.f32.msk $0xffff, v61  }
0x8c: {  	v12 =	vmul.f32 v12, v15;
	v15 =	vld.idx.msk [tilespmem:v3+s22+$0x0], $0xffff  }
0x8d: {  	[tilespmem:v8+s28+$0x0] =	vst.idx.add.f32.msk $0xffff, v17  }
0x8e: {  	[tilespmem:v14+s29+$0x0] =	vst.idx.add.f32.msk $0xffff, v12  }
0x8f: {  	v14 =	vmul.f32 v62, v5;
	v12 =	vld.idx.msk [tilespmem:v13+s23+$0x0], $0xffff;
	_ =	sdelay $0x1  }
0x90: {  	s7 =	simm.s32 $0x0;
	s8 =	simm.s32 $0x70;
	v13 =	vmul.f32 v63, v10;
	[tilespmem:v6+s28+$0x0] =	vst.idx.add.f32.msk $0xffff, v14;
	v14 =	vmul.f32 v15, v9  }
.LBB2_5:
0x91: {  	v15 =	vld [tilespmem:s8+$0x20];
	s7 =	sadd.s32 $0x5, s7  }
0x92: {  	v16 =	vld [tilespmem:s8+$0xFFFFFFF0];
	p0 =	slt.u32 s7, $0x26C  }
0x93: {  	v12 =	vmul.f32 v12, v11;
	v17 =	vld [tilespmem:s8+$0x0]  }
0x94: {  	v18 =	vld [tilespmem:s8+$0x10]  }
0x95: {  	v19 =	vld [tilespmem:s8+$0xFFFFFFE0]  }
0x96: {  	[tilespmem:v4+s28+$0x0] =	vst.idx.add.f32.msk $0xffff, v13  }
0x97: {  	s0 =	sadd.s32 $0x50, s0;
	[tilespmem:v7+s28+$0x0] =	vst.idx.add.f32.msk $0xffff, v14  }
0x98: {  	v13 =	vld [tilespmem:s0+$0x20]  }
0x99: {  	s2 =	sadd.s32 $0x50, s2;
	v14 =	vld.idx.msk [tilespmem:v15+s19+$0x0], $0xffff  }
0x9a: {  	v20 =	vld [tilespmem:s2+$0x20]  }
0x9b: {  	v21 =	vld.idx.msk [tilespmem:v16+s19+$0x0], $0xffff  }
0x9c: {  	v22 =	vld.idx.msk [tilespmem:v17+s19+$0x0], $0xffff  }
0x9d: {  	v23 =	vld.idx.msk [tilespmem:v19+s19+$0x0], $0xffff  }
0x9e: {  	v24 =	vld.idx.msk [tilespmem:v18+s19+$0x0], $0xffff  }
0x9f: {  	v11 =	vld [tilespmem:s2+$0xFFFFFFE0];
	v14 =	vmul.f32 v14, v20  }
0xa0: {  	v25 =	vld [tilespmem:s2+$0xFFFFFFF0]  }
0xa1: {  	[tilespmem:v13+s26+$0x0] =	vst.idx.add.f32.msk $0xffff, v14  }
0xa2: {  	v14 =	vld.idx.msk [tilespmem:v15+s21+$0x0], $0xffff  }
0xa3: {  	v26 =	vld [tilespmem:s2+$0x0]  }
0xa4: {  	v23 =	vmul.f32 v23, v11;
	v27 =	vld [tilespmem:s2+$0x10]  }
0xa5: {  	v28 =	vld [tilespmem:s0+$0xFFFFFFE0];
	v21 =	vmul.f32 v21, v25  }
0xa6: {  	v29 =	vld [tilespmem:s0+$0xFFFFFFF0]  }
0xa7: {  	v30 =	vld [tilespmem:s0+$0x0]  }
0xa8: {  	v14 =	vmul.f32 v14, v20;
	v22 =	vmul.f32 v22, v26;
	v31 =	vld [tilespmem:s0+$0x10]  }
0xa9: {  	v24 =	vmul.f32 v24, v27;
	v32 =	vld.idx.msk [tilespmem:v1+s23+$0x0], $0xffff;
	v1 =	vmov v16  }
0xaa: {  	[tilespmem:v13+s6+$0x0] =	vst.idx.add.f32.msk $0xffff, v14  }
0xab: {  	v14 =	vld.idx.msk [tilespmem:v15+s22+$0x0], $0xffff  }
0xac: {  	v16 =	vld.idx.msk [tilespmem:v2+s23+$0x0], $0xffff;
	v2 =	vmov v17  }
0xad: {  	[tilespmem:v28+s26+$0x0] =	vst.idx.add.f32.msk $0xffff, v23  }
0xae: {  	[tilespmem:v29+s26+$0x0] =	vst.idx.add.f32.msk $0xffff, v21  }
0xaf: {  	v17 =	vmul.f32 v32, v5;
	v5 =	vmov v25;
	[tilespmem:v30+s26+$0x0] =	vst.idx.add.f32.msk $0xffff, v22  }
0xb0: {  	[tilespmem:v31+s26+$0x0] =	vst.idx.add.f32.msk $0xffff, v24  }
0xb1: {  	v14 =	vmul.f32 v14, v20;
	v21 =	vld.idx.msk [tilespmem:v19+s21+$0x0], $0xffff  }
0xb2: {  	v16 =	vmul.f32 v16, v10;
	v10 =	vmov v26;
	v22 =	vld.idx.msk [tilespmem:v1+s21+$0x0], $0xffff  }
0xb3: {  	[tilespmem:v13+s28+$0x0] =	vst.idx.add.f32.msk $0xffff, v14  }
0xb4: {  	v14 =	vld.idx.msk [tilespmem:v15+s23+$0x0], $0xffff  }
0xb5: {  	v15 =	vld.idx.msk [tilespmem:v2+s21+$0x0], $0xffff  }
0xb6: {  	v23 =	vld.idx.msk [tilespmem:v18+s21+$0x0], $0xffff  }
0xb7: {  	v21 =	vmul.f32 v21, v11;
	v24 =	vld.idx.msk [tilespmem:v3+s23+$0x0], $0xffff;
	v3 =	vmov v18  }
0xb8: {  	v18 =	vmul.f32 v22, v5;
	[tilespmem:v8+s29+$0x0] =	vst.idx.add.f32.msk $0xffff, v12;
	v8 =	vmov v28  }
0xb9: {  	[tilespmem:v28+s6+$0x0] =	vst.idx.add.f32.msk $0xffff, v21  }
0xba: {  	v12 =	vmul.f32 v14, v20;
	[tilespmem:v29+s6+$0x0] =	vst.idx.add.f32.msk $0xffff, v18  }
0xbb: {  	v15 =	vmul.f32 v15, v10;
	v14 =	vld.idx.msk [tilespmem:v19+s22+$0x0], $0xffff  }
0xbc: {  	v18 =	vmul.f32 v23, v27;
	[tilespmem:v13+s29+$0x0] =	vst.idx.add.f32.msk $0xffff, v12  }
0xbd: {  	[tilespmem:v30+s6+$0x0] =	vst.idx.add.f32.msk $0xffff, v15;
	v15 =	vmul.f32 v24, v9;
	v9 =	vmov v27  }
0xbe: {  	[tilespmem:v31+s6+$0x0] =	vst.idx.add.f32.msk $0xffff, v18  }
0xbf: {  	v13 =	vld.idx.msk [tilespmem:v1+s22+$0x0], $0xffff  }
0xc0: {  	v18 =	vld.idx.msk [tilespmem:v2+s22+$0x0], $0xffff  }
0xc1: {  	v12 =	vmul.f32 v14, v11;
	v14 =	vld.idx.msk [tilespmem:v3+s22+$0x0], $0xffff  }
0xc2: {  	[tilespmem:v6+s29+$0x0] =	vst.idx.add.f32.msk $0xffff, v17;
	v6 =	vmov v29  }
.Ltmp1:
0xc3: {  	[tilespmem:v28+s28+$0x0] =	vst.idx.add.f32.msk $0xffff, v12;
	(pc) =	sbr.rel @p0 .LBB2_5-.Ltmp1, $4  }
0xc4: {  	v12 =	vld.idx.msk [tilespmem:v19+s23+$0x0], $0xffff  }
0xc5: {  	v17 =	vmul.f32 v13, v5;
	[tilespmem:v4+s29+$0x0] =	vst.idx.add.f32.msk $0xffff, v16;
	v4 =	vmov v30  }
0xc6: {  	v13 =	vmul.f32 v18, v10;
	[tilespmem:v7+s29+$0x0] =	vst.idx.add.f32.msk $0xffff, v15;
	v7 =	vmov v31  }
0xc7: {  	s8 =	sadd.s32 $0x50, s8;
	v14 =	vmul.f32 v14, v9;
	[tilespmem:v29+s28+$0x0] =	vst.idx.add.f32.msk $0xffff, v17  }
0xc8: {  	_ =	sdelay $0x3  }
0xc9: {  	[tilespmem:v4+s28+$0x0] =	vst.idx.add.f32.msk $0xffff, v13  }
0xca: {  	v1 =	vld.idx.msk [tilespmem:v1+s23+$0x0], $0xffff  }
0xcb: {  	[tilespmem:v7+s28+$0x0] =	vst.idx.add.f32.msk $0xffff, v14  }
0xcc: {  	v2 =	vld.idx.msk [tilespmem:v2+s23+$0x0], $0xffff  }
0xcd: {  	v3 =	vld.idx.msk [tilespmem:v3+s23+$0x0], $0xffff  }
0xce: {  	s31 =	sadd.s32 $0x1, s31  }
0xcf: {  	v11 =	vmul.f32 v12, v11;
	p0 =	sne.s32 s31, $0x4  }
.Ltmp2:
0xd0: {  	v1 =	vmul.f32 v1, v5;
	(pc) =	sbr.rel @p0 .LBB2_4-.Ltmp2, $4  }
0xd1: {  	[tilespmem:v8+s29+$0x0] =	vst.idx.add.f32.msk $0xffff, v11;
	v2 =	vmul.f32 v2, v10  }
0xd2: {  	v3 =	vmul.f32 v3, v9;
	[tilespmem:v6+s29+$0x0] =	vst.idx.add.f32.msk $0xffff, v1  }
0xd3: {  	[tilespmem:v4+s29+$0x0] =	vst.idx.add.f32.msk $0xffff, v2  }
0xd4: {  	[tilespmem:v7+s29+$0x0] =	vst.idx.add.f32.msk $0xffff, v3  }
0xd5: {  	s0 =	rddreg [dreg:$0x7]  }
0xd6: {  	[hbm4b:s0+s17] =	stream.strided.scatter [tilespmem:s26], [sflag:$0x1], $0x2780, s18, s17, $0x38;
	[tilespmem:$0x1B280] =	vst v63  }
0xd7: {  	_ =	swait.ge [sflag:s20], $0x2780  }
0xd8: {  	[sflag:s20] =	ssyncset.done $0x0  }
0xd9: {  	[sflag:s20] =	ssyncadd.s32 $0xFFFFD880  }
0xda: {  	[hbm4b:s13+s17] =	stream.strided.scatter [tilespmem:s6], [sflag:$0x1], $0x2780, s18, s17, $0x38;
	[tilespmem:$0x1B280] =	vst v63  }
0xdb: {  	_ =	swait.ge [sflag:s20], $0x2780  }
0xdc: {  	[sflag:s20] =	ssyncset.done $0x0  }
0xdd: {  	[sflag:s20] =	ssyncadd.s32 $0xFFFFD880  }
0xde: {  	[hbm4b:s14+s17] =	stream.strided.scatter [tilespmem:s28], [sflag:$0x1], $0x2780, s18, s17, $0x38;
	[tilespmem:$0x1B280] =	vst v63  }
0xdf: {  	s30 =	sadd.s32 $0x1, s30;
	_ =	swait.ge [sflag:s20], $0x2780  }
0xe0: {  	p0 =	sne.s32 s30, s16;
	[sflag:s20] =	ssyncset.done $0x0  }
.Ltmp3:
0xe1: {  	[sflag:s20] =	ssyncadd.s32 $0xFFFFD880;
	(pc) =	sbr.rel @p0 .LBB2_1-.Ltmp3, $4  }
0xe2: {  	[hbm4b:s15+s17] =	stream.strided.scatter [tilespmem:s29], [sflag:$0x1], $0x2780, s18, s17, $0x38;
	[tilespmem:$0x1B280] =	vst v63  }
0xe3: {  	_ =	swait.ge [sflag:s20], $0x2780  }
0xe4: {  	[sflag:s20] =	ssyncset.done $0x0  }
0xe5: {  	[sflag:s20] =	ssyncadd.s32 $0xFFFFD880  }
0xe6: {  	_ =	sfence.sel $0x180000  }
0xe7: {  	[bflag:$0x0] =	sbarrier.arrive $0xFFFF  }
0xe8: {  	_ =	strace $0x90000050  }
0xe9: {  	s0 =	stileid.u32;
	[bflag:$0x2] =	sbarrier.arrive $0xFFFF  }
0xea: {  	p0 =	sne.s32 s0, $0x0;
	s0 =	rddreg [dreg:$0x2]  }
0xeb: {  	s0 =	sadd.s32 @!p0 $0x100000, s0  }
0xec: {  	[sflag:s0] =	ssyncadd.tile.s32 @!p0 $0x1;
	_ =	shalt  }
.Lfunc_end2:
_tile_overlayer_lowered:
.L_overlay_start_2:
0xed: {  	(tag) =	ssettag $0x2  }
0xee: {  	s0 =	rddreg [dreg:$0x0];
	s2 =	stileid.u32  }
0xef: {  	s1 =	rddreg [dreg:$0x1];
	p0 =	sne.s32 s2, $0x0  }
0xf0: {  	s3 =	rddreg [dreg:$0x2];
	[bflag:$0x3] =	sbarrier.arrive $0xFFFF;
	s2 =	simm.s32 @!p0 $0x1C01  }
0xf1: {  	[timem:s3], [sflag:s2] =	dma.local @!p0 [hbm:s0], s1  }
0xf2: {  	s0 =	simm.s32 @!p0 $0x1  }
0xf3: {  	_ =	swait.ge @!p0 [sflag:s0], s1  }
0xf4: {  	s1 =	ssub.s32 @!p0 $0x0, s1;
	[sflag:s0] =	ssyncset.done @!p0 $0x0  }
0xf5: {  	[sflag:s0] =	ssyncadd.s32 @!p0 s1  }
0xf6: {  	[bflag:$0x3] =	sbarrier.arrive $0xFFFF  }
0xf7: {  	_ =	shalt  }

// kernel: kernel.9.cloned.1.call-start
scs
__scs_entry_jumppad:
0x0: {  	(pc) =	sbr.rel $0x88, $3  }
0x1: {  	(tag) =	ssettag $0x0;
	lr =	simm.s32 $0x1  }
0x2: {  	[smem:$0x3F9A] =	sst lr;
	_ =	strace $0xD0000000  }
0x3: {  	_ = 	snop  }
0x4: {  	_ = 	snop  }
0x5: {  	_ = 	snop  }
0x6: {  	_ = 	snop  }
0x7: {  	_ = 	snop  }
__scs_overlays_trampoline_lowered:
0x8: {  	[smem:$0x3FA9] =	sst s0  }
0x9: {  	[smem:$0x3FAA] =	sst s1  }
0xa: {  	[smem:$0x3FAB] =	sst s2  }
0xb: {  	[smem:$0x3FAC] =	sst s3  }
0xc: {  	[smem:$0x3FAD] =	sst s4  }
0xd: {  	[smem:$0x3FAE] =	sst s5  }
0xe: {  	[smem:$0x3FAF] =	sst s6  }
0xf: {  	[smem:$0x3FB0] =	sst s7  }
0x10: {  	[smem:$0x3FB1] =	sst s8  }
0x11: {  	[smem:$0x3FB2] =	sst s9;
	s0 =	simm.s32 @!p0 $0x0  }
0x12: {  	s1 =	sld [smem:$0x3F98];
	s0 =	simm.s32 @p0 $0x1  }
0x13: {  	[smem:$0x3FB3] =	sst s0;
	s0 =	simm.s32 @!p1 $0x0  }
0x14: {  	s2 =	sld [smem:$0x3F97];
	s0 =	simm.s32 @p1 $0x1  }
0x15: {  	[smem:$0x3FB4] =	sst s0;
	s0 =	simm.s32 @!p2 $0x0  }
0x16: {  	s3 =	sld [smem:$0x3FDB];
	s0 =	simm.s32 @p2 $0x1  }
0x17: {  	s4 =	simm.s32 $0x1BF5;
	[smem:$0x3FB6] =	sst s0  }
0x18: {  	s0 =	sld [smem:$0x3F99];
	_ =	swait.ge [sflag:s4], $0x0  }
0x19: {  	s7 =	sld [smem:$0x3F9A]  }
0x1a: {  	s8 =	sadd.s32 $0xFFFFE003, lr  }
0x1b: {  	s9 =	sadd.s32 $0xFFFFFEF7, lr;
	s5 =	simm.s32 $0xFFFFFFFF;
	p2 =	slt.u32 s8, $0xFFFFF086  }
0x1c: {  	p1 =	slt.u32 s9, $0xF7A;
	s5 =	simm.s32 @!p2 $0x0  }
0x1d: {  	s5 =	simm.s32 @p1 $0x1;
	p0 =	seq.s32 s7, s2  }
0x1e: {  	s7 =	smul.u32 @!p0 $0xF7A, s2;
	p2 =	seq.s32 @!p0 s5, $0x0  }
0x1f: {  	s9 =	smul.u32 $0xF7A, s1;
	s8 =	simm.s32 @!p0 $0x1BF5;
	p2 =	por !p2, p0  }
0x20: {  	[sflag:s8] =	ssyncset.s32 @!p0 $0xFFFFF086;
	s6 =	sadd.s32 @!p0 s3, s7;
	s7 =	simm.s32 @!p0 $0x108  }
0x21: {  	s3 =	sadd.s32 s3, s9;
	s6 =	sadd.s32 @!p0 $0x88, s6;
	s7 =	simm.s32 @p2 $0x1082  }
0x22: {  	[simem:s7], [sflag:s8] =	dma.local @!p0 [hbm:s6], $0xF7A  }
0x23: {  	s9 =	sor.u32 $0xD0000000, s2;
	s6 =	simm.s32 $0x108;
	_ =	swait.ge @!p0 [sflag:s8], $0x0  }
0x24: {  	s3 =	sadd.s32 $0x88, s3;
	s6 =	simm.s32 @!p1 $0x1082;
	[sflag:s4] =	ssyncset.s32 $0xFFFFF086  }
0x25: {  	[simem:s6], [sflag:s4] =	dma.local [hbm:s3], $0xF7A  }
0x26: {  	[smem:$0x3F9A] =	sst s1;
	(tag) =	ssettag s2;
	_ =	strace s9  }
0x27: {  	s1 =	sld [smem:$0x3FAA]  }
0x28: {  	s2 =	sld [smem:$0x3FAB]  }
0x29: {  	s4 =	sld [smem:$0x3FAD]  }
0x2a: {  	p0 =	seq.s32 s5, $0x0;
	s5 =	sld [smem:$0x3FAE]  }
0x2b: {  	s6 =	sld [smem:$0x3FAF]  }
0x2c: {  	s7 =	sld [smem:$0x3FB0]  }
0x2d: {  	s3 =	simm.s32 $0x108;
	s8 =	sld [smem:$0x3FB1]  }
0x2e: {  	s3 =	simm.s32 @!p0 $0x1082;
	s9 =	sld [smem:$0x3FB2]  }
0x2f: {  	lr =	sadd.s32 s0, s3;
	s0 =	sld [smem:$0x3FA9]  }
0x30: {  	s3 =	sld [smem:$0x3FAC]  }
0x31: {  	[smem:$0x3FB5] =	sst s10  }
0x32: {  	s10 =	sld [smem:$0x3FB3];
	_ =	sdelay $0x3  }
0x33: {  	p0 =	seq.s32 s10, $0x1;
	s10 =	sld [smem:$0x3FB5];
	_ =	sdelay $0x3  }
0x34: {  	[smem:$0x3FB5] =	sst s10  }
0x35: {  	s10 =	sld [smem:$0x3FB4];
	_ =	sdelay $0x3  }
0x36: {  	p1 =	seq.s32 s10, $0x1;
	s10 =	sld [smem:$0x3FB5];
	_ =	sdelay $0x3  }
0x37: {  	[smem:$0x3FB5] =	sst s10  }
0x38: {  	s10 =	sld [smem:$0x3FB6]  }
0x39: {  	_ = 	snop;
	(pc) =	sbr.ind lr, $3  }
0x3a: {  	_ = 	snop  }
0x3b: {  	_ = 	snop  }
0x3c: {  	p2 =	seq.s32 s10, $0x1;
	s10 =	sld [smem:$0x3FB5]  }
0x3d: {  	_ =	shalt  }
0x3e: {  	_ =	shalt  }
0x3f: {  	_ =	shalt  }
0x40: {  	_ =	shalt  }
0x41: {  	_ =	shalt  }
0x42: {  	_ =	shalt  }
0x43: {  	_ =	shalt  }
0x44: {  	_ =	shalt  }
0x45: {  	_ =	shalt  }
0x46: {  	_ =	shalt  }
0x47: {  	_ =	shalt  }
0x48: {  	_ =	shalt  }
0x49: {  	_ =	shalt  }
0x4a: {  	_ =	shalt  }
0x4b: {  	_ =	shalt  }
0x4c: {  	_ =	shalt  }
0x4d: {  	_ =	shalt  }
0x4e: {  	_ =	shalt  }
0x4f: {  	_ =	shalt  }
0x50: {  	_ =	shalt  }
0x51: {  	_ =	shalt  }
0x52: {  	_ =	shalt  }
0x53: {  	_ =	shalt  }
0x54: {  	_ =	shalt  }
0x55: {  	_ =	shalt  }
0x56: {  	_ =	shalt  }
0x57: {  	_ =	shalt  }
0x58: {  	_ =	shalt  }
0x59: {  	_ =	shalt  }
0x5a: {  	_ =	shalt  }
0x5b: {  	_ =	shalt  }
0x5c: {  	_ =	shalt  }
0x5d: {  	_ =	shalt  }
0x5e: {  	_ =	shalt  }
0x5f: {  	_ =	shalt  }
0x60: {  	_ =	shalt  }
0x61: {  	_ =	shalt  }
0x62: {  	_ =	shalt  }
0x63: {  	_ =	shalt  }
0x64: {  	_ =	shalt  }
0x65: {  	_ =	shalt  }
0x66: {  	_ =	shalt  }
0x67: {  	_ =	shalt  }
0x68: {  	_ =	shalt  }
0x69: {  	_ =	shalt  }
0x6a: {  	_ =	shalt  }
0x6b: {  	_ =	shalt  }
0x6c: {  	_ =	shalt  }
0x6d: {  	_ =	shalt  }
0x6e: {  	_ =	shalt  }
0x6f: {  	_ =	shalt  }
0x70: {  	_ =	shalt  }
0x71: {  	_ =	shalt  }
0x72: {  	_ =	shalt  }
0x73: {  	_ =	shalt  }
0x74: {  	_ =	shalt  }
0x75: {  	_ =	shalt  }
0x76: {  	_ =	shalt  }
0x77: {  	_ =	shalt  }
0x78: {  	_ =	shalt  }
0x79: {  	_ =	shalt  }
0x7a: {  	_ =	shalt  }
0x7b: {  	_ =	shalt  }
0x7c: {  	_ =	shalt  }
0x7d: {  	_ =	shalt  }
0x7e: {  	_ =	shalt  }
0x7f: {  	_ =	shalt  }
0x80: {  	_ =	shalt  }
0x81: {  	_ =	shalt  }
0x82: {  	_ =	shalt  }
0x83: {  	_ =	shalt  }
0x84: {  	_ =	shalt  }
0x85: {  	_ =	shalt  }
0x86: {  	_ =	shalt  }
0x87: {  	_ =	shalt  }
.Lfunc_end0:
.L_simem_size_0:
called_computation_lowered:
.L_overlay_start_0:
0x88: {  	s2 =	sld [smem:$0x3FD9]  }
0x89: {  	s3 =	sld [smem:$0x3FFE];
	_ =	sdelay $0x1  }
0x8a: {  	s1 =	srdreg.scid  }
0x8b: {  	s0 =	sand.u32 $0x1, s1  }
0x8c: {  	s17 =	sshll.u32 s0, $0xA;
	s2 =	sadd.s32 s3, s2  }
0x8d: {  	s2 =	sadd.s32 s2, s17  }
0x8e: {  	[smem:$0x3FC1] =	sst s2  }
0x8f: {  	_ = 	snop  }
0x90: {  	s2 =	sld [smem:$0x3FC7];
	(tm) =	ssettm $0x1  }
0x91: {  	s18 =	sld [smem:$0x3FFB];
	_ =	sdelay $0x3  }
0x92: {  	_ =	strace s18  }
0x93: {  	s3 =	sld [smem:$0x3FFC];
	_ =	sdelay $0x3  }
0x94: {  	_ =	strace s3  }
0x95: {  	s3 =	sld [smem:$0x3FFD];
	_ =	sdelay $0x3  }
0x96: {  	_ =	strace s3  }
0x97: {  	_ =	strace $0x8FFFFFFF  }
0x98: {  	s19 =	sld [smem:$0x3FDB];
	_ =	sdelay $0x1  }
0x99: {  	s4 =	simm.s32 $_scs_section_size  }
0x9a: {  	s5 =	simm.s32 $_size__tile_overlayer_lowered;
	s6 =	simm.s32 $_tile_overlayer_lowered  }
0x9b: {  	s22 =	simm.s32 $0x1BFF;
	s21 =	sshll.u32 s6, $0x1;
	s3 =	sadd.s32 s4, s19  }
0x9c: {  	s7 =	simm.s32 $0x0;
	s20 =	sshll.u32 s5, $0x1;
	s5 =	sadd.s32 s21, s3  }
0x9d: {  	[timem:s7], [sflag:s22] =	dma.local [hbm:s5], s20  }
0x9e: {  	_ =	swait.ge [sflag:s22], s20  }
0x9f: {  	s4 =	ssub.s32 $0x0, s20;
	[sflag:s22] =	ssyncset.done $0x0  }
0xa0: {  	[sflag:s22] =	ssyncadd.s32 s4;
	_ =	sdelay $0x1  }
0xa1: {  	s23 =	simm.s32 $0x1B8B  }
0xa2: {  	_ =	swait.ge [sflag:s23], $0x1  }
0xa3: {  	[sflag:s23] =	ssyncset.done $0x0  }
0xa4: {  	s25 =	simm.s32 $0x1B8E;
	s24 =	sld [smem:$0x3FFE];
	[sflag:s23] =	ssyncadd.s32 $0xFFFFFFFF  }
0xa5: {  	s26 =	simm.s32 $execute0_lowered;
	[smem:$0x3FD2] =	sst s25  }
0xa6: {  	s5 =	sshll.u32 s26, $0x1;
	_ =	strace $0x80000046;
	[dreg:$0x1] =	wrdreg $0xFFFFFFFF  }
0xa7: {  	s28 =	simm.s32 $_size_execute0_lowered;
	s3 =	sadd.s32 s3, s5;
	[dreg:$0x0] =	wrdreg $0x0  }
0xa8: {  	s5 =	sshll.u32 s28, $0x1;
	[dreg:$0x2] =	wrdreg s3  }
0xa9: {  	[dreg:$0x3] =	wrdreg s5  }
0xaa: {  	[dreg:$0x4] =	wrdreg $0xC0  }
0xab: {  	_ =	task [dreg:s7], $0x5FFFF  }
0xac: {  	[dreg:$0x1] =	wrdreg $0xFFFFFFFF  }
0xad: {  	[dreg:$0x0] =	wrdreg $0x60  }
0xae: {  	[dreg:$0x2] =	wrdreg s24  }
0xaf: {  	[dreg:$0x3] =	wrdreg s2  }
0xb0: {  	[dreg:$0x4] =	wrdreg $0x9  }
0xb1: {  	_ =	task.clear_ibuf [dreg:s7], $0x5FFFF;
	_ =	strace $0x90000046  }
0xb2: {  	s29 =	simm.s32 $0x9;
	_ =	strace $0x80000048  }
0xb3: {  	_ =	swait.ge [sflag:s29], $0x1  }
0xb4: {  	[sflag:s29] =	ssyncadd.s32 $0xFFFFFFFF  }
0xb5: {  	_ =	strace $0x90000048  }
0xb6: {  	_ =	sfence  }
0xb7: {  	s30 =	sld [smem:$0x0];
	_ =	sdelay $0x2  }
0xb8: {  	s31 =	sshll.u32 s1, $0xD;
	s1 =	sshrl.u32 s1, $0x2  }
0xb9: {  	s3 =	sand.u32 $0x4000, s31;
	s1 =	sadd.s32 s1, s30  }
0xba: {  	s0 =	sor.u32 s3, s0;
	s1 =	sshll.u32 s1, $0x11  }
0xbb: {  	s0 =	sor.u32 s1, s0  }
0xbc: {  	s0 =	sadd.s32 $0x8F2B, s0  }
0xbd: {  	[sflag:s0] =	ssyncadd.remote.s32 $0x1  }
0xbe: {  	_ =	sfence.sel $0xFFFF  }
0xbf: {  	[dreg:$0x0] =	wrdreg $0xFFFFFFFF;
	(pc) =	sbr.abs _section_cstart, $3  }
0xc0: {  	[dreg:$0x1] =	wrdreg $0xFFFFFFFF  }
0xc1: {  	_ =	task.clear_ibuf [dreg:s7], $0x2FFFF;
	_ =	strace $0x9FFFFFFF  }
0xc2: {  	(tm) =	ssettm $0x7FFFFFFF  }
0xc3: {  	_ =	shalt  }
tec
execute0_lowered:
.L_overlay_start_1:
0x0: {  	(tag) =	ssettag $0x1  }
0x1: {  	s3 =	rddreg [dreg:$0x0]  }
0x2: {  	s1 =	srdreg.scid;
	s0 =	stileid.u32  }
0x3: {  	s4 =	rddreg [dreg:$0x1];
	s10 =	simm.s32 $0x80;
	s11 =	simm.s32 $0x400  }
0x4: {  	s12 =	simm.s32 $0x0;
	s5 =	sand.u32 $0x1, s1;
	s2 =	sshll.u32 s0, $0x1  }
0x5: {  	s1 =	rddreg [dreg:$0x2];
	s7 =	sshrl.u32 s0, $0x2;
	s6 =	sor.u32 s5, s2  }
0x6: {  	s2 =	simm.s32 $0x0;
	s7 =	smul.u32 $0x13C00, s7;
	s5 =	ssub.s32 $0x2, s5  }
0x7: {  	s8 =	sshll.u32 s6, $0x7;
	[smem:$0x7FF] =	sst s2;
	s6 =	smul.u32 $0x4E2, s6  }
0x8: {  	s9 =	sshrl.u32 s5, $0x1;
	s8 =	sand.u32 $0x380, s8;
	_ =	strace $0x80000047  }
0x9: {  	s9 =	ssub.s32 s5, s9;
	s7 =	sor.u32 s7, s8;
	s31 =	sadd.s32 s6, s3  }
0xa: {  	s4 =	sadd.s32 s4, s6;
	s6 =	smax.u32 s9, $0x1;
	s7 =	sshrl.u32 s7, $0x3  }
0xb: {  	s8 =	simm.s32 $0x2780;
	s9 =	simm.s32 $0x4F00;
	s7 =	sadd.s32 s7, s3  }
0xc: {  	v0 =	vimm.f32 $0.0e+00;
	s3 =	sadd.s32 $0x2C00, s31;
	s5 =	sadd.s32 $0x16800, s7;
	s7 =	simm.s32 $0x1  }
.LBB2_1:
0xd: {  	s13 =	simm.s32 $0x4F20  }
0xe: {  	[tilespmem:s13+$0xFFFFFFE0] =	vst v0  }
0xf: {  	[tilespmem:s13+$0x20] =	vst v0  }
0x10: {  	[tilespmem:s13+$0x10] =	vst v0  }
0x11: {  	s14 =	simm.s32 $0x0;
	[tilespmem:s13+$0x0] =	vst v0  }
.LBB2_2:
0x12: {  	s14 =	sadd.s32 $0x5, s14  }
0x13: {  	[tilespmem:s13+$0xFFFFFFF0] =	vst v0;
	s13 =	sadd.s32 $0x50, s13;
	p0 =	slt.u32 s14, $0x26C  }
.Ltmp0:
0x14: {  	[tilespmem:s13+$0xFFFFFFE0] =	vst v0;
	(pc) =	sbr.rel @p0 .LBB2_2-.Ltmp0, $4  }
0x15: {  	_ = 	snop  }
0x16: {  	[tilespmem:s13+$0x20] =	vst v0  }
0x17: {  	[tilespmem:s13+$0x10] =	vst v0  }
0x18: {  	[tilespmem:s13+$0x0] =	vst v0  }
0x19: {  	[tilespmem:s13+$0xFFFFFFF0] =	vst v0  }
0x1a: {  	[tilespmem:s2], [sflag:$0x1] =	stream.linear.gather [hbm4b:s3+s2], $0x2710, $0x38;
	[tilespmem:$0x7680] =	vst v63  }
0x1b: {  	_ =	swait.ge [sflag:s7], $0x2710  }
0x1c: {  	[sflag:s7] =	ssyncset.done $0x0  }
0x1d: {  	[sflag:s7] =	ssyncadd.s32 $0xFFFFD8F0  }
0x1e: {  	[tilespmem:s8], [sflag:$0x1] =	stream.linear.gather [hbm4b:s4+s2], $0x2710, $0x38;
	[tilespmem:$0x7680] =	vst v63  }
0x1f: {  	_ =	swait.ge [sflag:s7], $0x2710  }
0x20: {  	[sflag:s7] =	ssyncset.done $0x0  }
0x21: {  	s14 =	simm.s32 $0x20;
	[sflag:s7] =	ssyncadd.s32 $0xFFFFD8F0  }
0x22: {  	v1 =	vld [tilespmem:s14+$0x20]  }
0x23: {  	s13 =	simm.s32 $0x27A0;
	v3 =	vld [tilespmem:s14+$0xFFFFFFF0]  }
0x24: {  	v2 =	vld [tilespmem:s13+$0x20]  }
0x25: {  	v4 =	vld [tilespmem:s14+$0x0]  }
0x26: {  	v5 =	vld [tilespmem:s14+$0xFFFFFFE0]  }
0x27: {  	v6 =	vld [tilespmem:s13+$0xFFFFFFE0]  }
0x28: {  	v7 =	vld [tilespmem:s13+$0xFFFFFFF0]  }
0x29: {  	v8 =	vld [tilespmem:s13+$0x0]  }
0x2a: {  	[tilespmem:v1+s9+$0x0] =	vst.idx.add.f32.msk $0xffff, v2  }
0x2b: {  	v2 =	vld [tilespmem:s13+$0x10]  }
0x2c: {  	v1 =	vld [tilespmem:s14+$0x10]  }
0x2d: {  	[tilespmem:v3+s9+$0x0] =	vst.idx.add.f32.msk $0xffff, v7  }
0x2e: {  	[tilespmem:v5+s9+$0x0] =	vst.idx.add.f32.msk $0xffff, v6  }
0x2f: {  	s15 =	simm.s32 $0x70;
	s14 =	simm.s32 $0x0;
	[tilespmem:v4+s9+$0x0] =	vst.idx.add.f32.msk $0xffff, v8  }
.LBB2_4:
0x30: {  	v3 =	vld [tilespmem:s15+$0x20];
	s14 =	sadd.s32 $0x5, s14;
	v4 =	vmov v2  }
0x31: {  	v5 =	vld [tilespmem:s15+$0xFFFFFFF0];
	p0 =	slt.u32 s14, $0x26C  }
0x32: {  	s13 =	sadd.s32 $0x50, s13;
	v6 =	vld [tilespmem:s15+$0x0]  }
0x33: {  	v2 =	vld [tilespmem:s13+$0x20]  }
0x34: {  	v7 =	vld [tilespmem:s15+$0x10]  }
0x35: {  	v8 =	vld [tilespmem:s15+$0xFFFFFFE0]  }
0x36: {  	v9 =	vld [tilespmem:s13+$0xFFFFFFE0]  }
0x37: {  	v10 =	vld [tilespmem:s13+$0xFFFFFFF0]  }
0x38: {  	[tilespmem:v3+s9+$0x0] =	vst.idx.add.f32.msk $0xffff, v2  }
0x39: {  	v3 =	vld [tilespmem:s13+$0x0]  }
.Ltmp1:
0x3a: {  	v2 =	vld [tilespmem:s13+$0x10];
	(pc) =	sbr.rel @p0 .LBB2_4-.Ltmp1, $4  }
0x3b: {  	[tilespmem:v1+s9+$0x0] =	vst.idx.add.f32.msk $0xffff, v4;
	v1 =	vmov v7  }
0x3c: {  	[tilespmem:v5+s9+$0x0] =	vst.idx.add.f32.msk $0xffff, v10  }
0x3d: {  	[tilespmem:v8+s9+$0x0] =	vst.idx.add.f32.msk $0xffff, v9  }
0x3e: {  	s15 =	sadd.s32 $0x50, s15;
	[tilespmem:v6+s9+$0x0] =	vst.idx.add.f32.msk $0xffff, v3  }
0x3f: {  	_ =	sdelay $0x1  }
0x40: {  	s12 =	sadd.s32 $0x1, s12  }
0x41: {  	p0 =	sne.s32 s12, s6  }
.Ltmp2:
0x42: {  	[tilespmem:v1+s9+$0x0] =	vst.idx.add.f32.msk $0xffff, v2;
	(pc) =	sbr.rel @p0 .LBB2_1-.Ltmp2, $4  }
0x43: {  	[hbm4b:s5+s10] =	stream.strided.scatter [tilespmem:s9], [sflag:$0x1], $0x2780, s11, s10, $0x38;
	[tilespmem:$0x7680] =	vst v63  }
0x44: {  	_ =	swait.ge [sflag:s7], $0x2780  }
0x45: {  	[sflag:s7] =	ssyncset.done $0x0  }
0x46: {  	[sflag:s7] =	ssyncadd.s32 $0xFFFFD880  }
0x47: {  	_ =	sfence.sel $0x180000  }
0x48: {  	[bflag:$0x0] =	sbarrier.arrive $0xFFFF  }
0x49: {  	p0 =	sne.s32 s0, $0x0;
	_ =	strace $0x90000047  }
0x4a: {  	s0 =	sadd.s32 @!p0 $0x100000, s1;
	[bflag:$0x2] =	sbarrier.arrive $0xFFFF  }
0x4b: {  	[sflag:s0] =	ssyncadd.tile.s32 @!p0 $0x1;
	_ =	shalt  }
.Lfunc_end2:
_tile_overlayer_lowered:
.L_overlay_start_2:
0x4c: {  	(tag) =	ssettag $0x2  }
0x4d: {  	s0 =	rddreg [dreg:$0x0];
	s2 =	stileid.u32  }
0x4e: {  	s1 =	rddreg [dreg:$0x1];
	p0 =	sne.s32 s2, $0x0  }
0x4f: {  	s3 =	rddreg [dreg:$0x2];
	[bflag:$0x3] =	sbarrier.arrive $0xFFFF;
	s2 =	simm.s32 @!p0 $0x1C01  }
0x50: {  	[timem:s3], [sflag:s2] =	dma.local @!p0 [hbm:s0], s1  }
0x51: {  	s0 =	simm.s32 @!p0 $0x1  }
0x52: {  	_ =	swait.ge @!p0 [sflag:s0], s1  }
0x53: {  	s1 =	ssub.s32 @!p0 $0x0, s1;
	[sflag:s0] =	ssyncset.done @!p0 $0x0  }
0x54: {  	[sflag:s0] =	ssyncadd.s32 @!p0 s1  }
0x55: {  	[bflag:$0x3] =	sbarrier.arrive $0xFFFF  }
0x56: {  	_ =	shalt  }

</sc_bundles>
